<compile_context>
chip_gen: v7x
topology: tpu7x:2x2x1
jax: 0.10.2.dev20260603
libtpu: 0.0.44.dev20260713+nightly
codegen_flags: <defaults>
</compile_context>

<pallas_src>
import functools

import jax
import jax.numpy as jnp
from jax import lax
from jax.experimental import pallas as pl
from jax.experimental.pallas import tpu as pltpu
from jax.experimental.pallas import tpu_sc as plsc

N = 286
NPAD = 288
NCH_N = NPAD // 16
E = 9152
NCH_E = E // 16
NSUB = 16
BIG = 36
NBIG = NCH_E - NSUB * (BIG - 1)
EPT = BIG * 16

ACC_COLS = 40
COL_B = 20


def _rsqrt16(x):
    i = plsc.bitcast(x, jnp.int32)
    y = plsc.bitcast(jnp.int32(0x5F3759DF) - jnp.right_shift(i, 1),
                     jnp.float32)
    for _ in range(3):
        y = y * (1.5 - 0.5 * x * y * y)
    return y


def _gnn_body(src_hbm, dst_hbm, feat_hbm, fcw_hbm, params_hbm, out_hbm,
              src_v, dst_v, feat_v, fcw_v, params_v,
              x0, x1, h0, h1, onorm, inorm, acc, shared, res_v, sem):
    w = lax.axis_index("s")
    is_lead = w == 0

    start = w * BIG - jnp.maximum(w - NBIG, 0)
    cnt = jnp.where(w < NBIG, BIG, BIG - 1)

    copies = [
        pltpu.async_copy(src_hbm.at[pl.ds(start * 16, (BIG - 1) * 16)],
                         src_v.at[pl.ds(0, (BIG - 1) * 16)], sem),
        pltpu.async_copy(dst_hbm.at[pl.ds(start * 16, (BIG - 1) * 16)],
                         dst_v.at[pl.ds(0, (BIG - 1) * 16)], sem),
        pltpu.async_copy(feat_hbm, feat_v, sem),
        pltpu.async_copy(params_hbm, params_v, sem),
    ]

    @pl.when(w < NBIG)
    def _():
        off = (start + BIG - 1) * 16
        pltpu.async_copy(src_hbm.at[pl.ds(off, 16)],
                         src_v.at[pl.ds((BIG - 1) * 16, 16)], sem).wait()
        pltpu.async_copy(dst_hbm.at[pl.ds(off, 16)],
                         dst_v.at[pl.ds((BIG - 1) * 16, 16)], sem).wait()

    @pl.when(is_lead)
    def _():
        pltpu.async_copy(fcw_hbm, fcw_v, sem).wait()

    for c in copies:
        c.wait()

    zeros16 = jnp.zeros((16,), jnp.float32)
    ones16 = jnp.ones((16,), jnp.float32)
    iota16 = lax.iota(jnp.int32, 16)

    def bc(j):
        return plsc.load_gather(params_v, [jnp.full((16,), j, jnp.int32)])

    def zero_acc(r, c):
        acc[r, pl.ds(0, 16)] = zeros16
        acc[r, pl.ds(16, 16)] = zeros16
        acc[r, pl.ds(24, 16)] = zeros16
        return c

    def reduce_acc():
        plsc.subcore_barrier()

        @pl.when(w == 0)
        def _():
            pltpu.sync_copy(acc, shared)
        plsc.subcore_barrier()

        @pl.when(w != 0)
        def _():
            pltpu.sync_copy(acc, shared.at[iota16], add=True)
        plsc.subcore_barrier()
        pltpu.sync_copy(shared, acc)

    lax.fori_loop(0, NSUB, zero_acc, 0)

    def deg(i, c):
        sl = pl.ds(i * 16, 16)
        s = src_v[sl]
        d = dst_v[sl]
        plsc.addupdate_scatter(acc, [s & 15, jnp.right_shift(s, 4)], ones16)
        plsc.addupdate_scatter(
            acc, [d & 15, jnp.right_shift(d, 4) + COL_B], ones16)
        return c
    lax.fori_loop(0, cnt, deg, 0)
    reduce_acc()

    def norm(i, c):
        sl = pl.ds(i * 16, 16)
        fi = jnp.full((16,), i, jnp.int32)
        dv0 = plsc.load_gather(acc, [iota16, fi])
        dv1 = plsc.load_gather(acc, [iota16, fi + COL_B])
        onorm[sl] = _rsqrt16(jnp.maximum(dv0, 1.0))
        inorm[sl] = _rsqrt16(jnp.maximum(dv1, 1.0))
        return c
    lax.fori_loop(0, NCH_N, norm, 0)

    def layer(get0, get1, pbase, wr0, wr1):
        w00, w01, w10, w11 = bc(pbase), bc(pbase + 1), bc(pbase + 2), bc(pbase + 3)
        b0, b1 = bc(pbase + 4), bc(pbase + 5)

        def pre(i, c):
            sl = pl.ds(i * 16, 16)
            on = onorm[sl]
            v0 = get0(i) * on
            v1 = get1(i) * on
            h0[sl] = v0 * w00 + v1 * w10
            h1[sl] = v0 * w01 + v1 * w11
            return c
        lax.fori_loop(0, NCH_N, pre, 0)
        lax.fori_loop(0, NSUB, zero_acc, 0)

        def edge(i, c):
            sl = pl.ds(i * 16, 16)
            s = src_v[sl]
            d = dst_v[sl]
            m0 = plsc.load_gather(h0, [s])
            m1 = plsc.load_gather(h1, [s])
            dlo = d & 15
            dhi = jnp.right_shift(d, 4)
            plsc.addupdate_scatter(acc, [dlo, dhi], m0)
            plsc.addupdate_scatter(acc, [dlo, dhi + COL_B], m1)
            return c
        lax.fori_loop(0, cnt, edge, 0)
        reduce_acc()

        def post(i, c):
            sl = pl.ds(i * 16, 16)
            inn = inorm[sl]
            fi = jnp.full((16,), i, jnp.int32)
            av0 = plsc.load_gather(acc, [iota16, fi])
            av1 = plsc.load_gather(acc, [iota16, fi + COL_B])
            wr0[sl] = jnp.maximum(av0 * inn + b0, 0.0)
            wr1[sl] = jnp.maximum(av1 * inn + b1, 0.0)
            return c
        lax.fori_loop(0, NCH_N, post, 0)

    layer(lambda i: plsc.load_gather(
              feat_v, [(iota16 + jnp.full((16,), i * 16, jnp.int32)) * 2]),
          lambda i: plsc.load_gather(
              feat_v, [(iota16 + jnp.full((16,), i * 16, jnp.int32)) * 2 + 1]),
          0, x0, x1)
    layer(lambda i: x0[pl.ds(i * 16, 16)],
          lambda i: x1[pl.ds(i * 16, 16)],
          6, x0, x1)

    @pl.when(is_lead)
    def _():
        def fc(i, a):
            sl = pl.ds(i * 16, 16)
            nvec = iota16 + jnp.full((16,), i * 16, jnp.int32)
            gidx = jnp.minimum(nvec, N - 1) * 2
            g0 = plsc.load_gather(fcw_v, [gidx])
            g1 = plsc.load_gather(fcw_v, [gidx + 1])
            contrib = x0[sl] * g0 + x1[sl] * g1
            return a + jnp.where(nvec < N, contrib, 0.0)
        a = lax.fori_loop(0, NCH_N, fc, zeros16)
        tot = jnp.full((16,), jnp.sum(a)) + bc(12)
        res_v[...] = 1.0 / (1.0 + jnp.exp(-tot))
        pltpu.sync_copy(res_v, out_hbm)


_gnn = functools.partial(
    pl.kernel,
    out_type=jax.ShapeDtypeStruct((16,), jnp.float32),
    mesh=plsc.VectorSubcoreMesh(core_axis_name="c", subcore_axis_name="s",
                                num_cores=1, num_subcores=16),
    compiler_params=pltpu.CompilerParams(needs_layout_passes=False,
                                         disable_bounds_checks=True),
    scratch_types=[
        pltpu.VMEM((EPT,), jnp.int32),
        pltpu.VMEM((EPT,), jnp.int32),
        pltpu.VMEM((2 * N,), jnp.float32),
        pltpu.VMEM((2 * N,), jnp.float32),
        pltpu.VMEM((16,), jnp.float32),
        pltpu.VMEM((NPAD,), jnp.float32),
        pltpu.VMEM((NPAD,), jnp.float32),
        pltpu.VMEM((NPAD,), jnp.float32),
        pltpu.VMEM((NPAD,), jnp.float32),
        pltpu.VMEM((NPAD,), jnp.float32),
        pltpu.VMEM((NPAD,), jnp.float32),
        pltpu.VMEM((NSUB, ACC_COLS), jnp.float32),
        pltpu.VMEM_SHARED((NSUB, ACC_COLS), jnp.float32),
        pltpu.VMEM((16,), jnp.float32),
        pltpu.SemaphoreType.DMA,
    ],
)(_gnn_body)


def kernel(features, edge_index, W1, b1, W2, b2, fc_w, fc_b):
    params = jnp.concatenate([
        W1.ravel(), b1, W2.ravel(), b2, fc_b, jnp.zeros((3,), jnp.float32),
    ])
    res = _gnn(edge_index[0], edge_index[1], features.reshape(2 * N),
               fc_w.reshape(2 * N), params)
    return res[0:1].reshape(1, 1)

# --- scband reference (transcript-rebuilt; emitter-appended) ---
"""Pipeline reference for scband-ppimodel-67508295958926 (READ-ONLY COPY).

The authoritative reference and input builder live on the scoring server;
editing this copy changes nothing except your own understanding.
"""

import jax, jax.numpy as jnp
import numpy as np

N = 286  # fixed by fc layer: flatten of [N,2] must equal 572
E = 9152  # N * avg_degree 32


def setup_inputs(seed: int = 0) -> dict:
    key = jax.random.key(seed)
    k1, k2, k3, k4, k5, k6, k7 = jax.random.split(key, 7)
    features = jax.random.normal(k1, (N, 2), dtype=jnp.float32)
    edge_index = jax.random.randint(k2, (2, E), 0, N, dtype=jnp.int32)
    W1 = jax.random.normal(k3, (2, 2), dtype=jnp.float32) * 0.5
    b1 = jnp.zeros((2,), dtype=jnp.float32)
    W2 = jax.random.normal(k4, (2, 2), dtype=jnp.float32) * 0.5
    b2 = jnp.zeros((2,), dtype=jnp.float32)
    fc_w = jax.random.normal(k5, (572, 1), dtype=jnp.float32) * 0.05
    fc_b = jnp.zeros((1,), dtype=jnp.float32)
    return {"features": features, "edge_index": edge_index,
            "W1": W1, "b1": b1, "W2": W2, "b2": b2,
            "fc_w": fc_w, "fc_b": fc_b}


def _graph_conv(x, src, dst, n_nodes, W, b):
    # DGL GraphConv with norm='both': D_out^{-1/2} A^T-style aggregation D_in^{-1/2} X W + b
    e_ones = jnp.ones((src.shape[0],), dtype=x.dtype)
    out_deg = jax.ops.segment_sum(e_ones, src, num_segments=n_nodes)
    in_deg = jax.ops.segment_sum(e_ones, dst, num_segments=n_nodes)
    out_deg = jnp.clip(out_deg, 1.0, None)
    in_deg = jnp.clip(in_deg, 1.0, None)
    h = x * jnp.power(out_deg, -0.5)[:, None]
    h = h @ W
    msg = jnp.take(h, src, axis=0)
    agg = jax.ops.segment_sum(msg, dst, num_segments=n_nodes)
    agg = agg * jnp.power(in_deg, -0.5)[:, None]
    return agg + b


def reference(features, edge_index, W1, b1, W2, b2, fc_w, fc_b):
    n_nodes = features.shape[0]
    src = edge_index[0]
    dst = edge_index[1]
    x = _graph_conv(features, src, dst, n_nodes, W1, b1)
    x = jax.nn.relu(x)
    x = _graph_conv(x, src, dst, n_nodes, W2, b2)
    x = jax.nn.relu(x)
    x = x.reshape(1, -1)
    out = jax.nn.sigmoid(x @ fc_w + fc_b)
    return out

if __name__ == "__main__":
    import jax
    _d = setup_inputs()
    print(jax.jit(kernel)(*tuple(_d.values())))

</pallas_src>

<mosaic_0001>
#map = affine_map<(d0, d1) -> (0)>
module attributes {stable_mosaic.version = 14 : i64} {
  func.func @_gnn_body(%arg0: i32, %arg1: i32, %arg2: memref<9152xi32, #tpu.memory_space<hbm>>, %arg3: memref<9152xi32, #tpu.memory_space<hbm>>, %arg4: memref<572xf32, #tpu.memory_space<hbm>>, %arg5: memref<572xf32, #tpu.memory_space<hbm>>, %arg6: memref<16xf32, #tpu.memory_space<hbm>>, %arg7: memref<16xf32, #tpu.memory_space<hbm>>, %arg8: memref<576xi32, #tpu.memory_space<vmem>>, %arg9: memref<576xi32, #tpu.memory_space<vmem>>, %arg10: memref<572xf32, #tpu.memory_space<vmem>>, %arg11: memref<572xf32, #tpu.memory_space<vmem>>, %arg12: memref<16xf32, #tpu.memory_space<vmem>>, %arg13: memref<288xf32, #tpu.memory_space<vmem>>, %arg14: memref<288xf32, #tpu.memory_space<vmem>>, %arg15: memref<288xf32, #tpu.memory_space<vmem>>, %arg16: memref<288xf32, #tpu.memory_space<vmem>>, %arg17: memref<288xf32, #tpu.memory_space<vmem>>, %arg18: memref<288xf32, #tpu.memory_space<vmem>>, %arg19: memref<16x40xf32, #tpu.memory_space<vmem>>, %arg20: memref<16x40xf32, #tpu.memory_space<vmem_shared>>, %arg21: memref<16xf32, #tpu.memory_space<vmem>>, %arg22: memref<!tpu.dma_semaphore, #tpu.memory_space<semaphore_mem>>) attributes {dimension_semantics = [#tpu.dimension_semantics<core_parallel>, #tpu.dimension_semantics<subcore_parallel>], iteration_bounds = array<i64: 1, 16>, scalar_prefetch = 0 : i64, scratch_operands = 15 : i64, tpu.core_type = #tpu.core_type<sc_vector_subcore>, window_params = [{transform_indices = #map}, {transform_indices = #map}, {transform_indices = #map}, {transform_indices = #map}, {transform_indices = #map}, {transform_indices = #map}]} {
    %eq3A = arith.constant 0 : i32
    %eq3A_0 = arith.cmpi eq, %arg1, %eq3A : i32
    %mul3A = arith.constant 36 : i32
    %mul3A_1 = arith.muli %arg1, %mul3A : i32
    %sub3A = arith.constant 12 : i32
    %sub3A_2 = arith.subi %arg1, %sub3A : i32
    %max3A = arith.constant 0 : i32
    %max3A_3 = arith.maxsi %sub3A_2, %max3A : i32
    %sub3A_4 = arith.subi %mul3A_1, %max3A_3 : i32
    %lt3A = arith.constant 12 : i32
    %lt3A_5 = arith.cmpi slt, %arg1, %lt3A : i32
    %jit3A = arith.constant 36 : i32
    %jit3A_6 = arith.constant 35 : i32
    %select_n3A = arith.select %lt3A_5, %jit3A, %jit3A_6 : i32
    %mul3A_7 = arith.constant 16 : i32
    %mul3A_8 = arith.muli %sub3A_4, %mul3A_7 : i32
    %dma_start3A = arith.constant 0 : i32
    %dma_start3A_9 = tpu.memref_slice %arg8[%dma_start3A] : memref<576xi32, #tpu.memory_space<vmem>> -> memref<560xi32, #tpu.memory_space<vmem>>
    %dma_start3A_10 = tpu.memref_slice %arg2[%mul3A_8] : memref<9152xi32, #tpu.memory_space<hbm>> -> memref<560xi32, #tpu.memory_space<hbm>>
    %dma_start3A_11 = arith.constant 0 : i32
    %dma_start3A_12 = tpu.memref_slice %arg8[%dma_start3A_11] : memref<576xi32, #tpu.memory_space<vmem>> -> memref<560xi32, #tpu.memory_space<vmem>>
    %dma_start3A_13 = tpu.memref_slice %arg2[%mul3A_8] : memref<9152xi32, #tpu.memory_space<hbm>> -> memref<560xi32, #tpu.memory_space<hbm>>
    tpu.enqueue_dma source(%dma_start3A_13 : memref<560xi32, #tpu.memory_space<hbm>>) target(%dma_start3A_12 : memref<560xi32, #tpu.memory_space<vmem>>) target_semaphore(%arg22 : memref<!tpu.dma_semaphore, #tpu.memory_space<semaphore_mem>>)
    %mul3A_14 = arith.constant 16 : i32
    %mul3A_15 = arith.muli %sub3A_4, %mul3A_14 : i32
    %dma_start3A_16 = arith.constant 0 : i32
    %dma_start3A_17 = tpu.memref_slice %arg9[%dma_start3A_16] : memref<576xi32, #tpu.memory_space<vmem>> -> memref<560xi32, #tpu.memory_space<vmem>>
    %dma_start3A_18 = tpu.memref_slice %arg3[%mul3A_15] : memref<9152xi32, #tpu.memory_space<hbm>> -> memref<560xi32, #tpu.memory_space<hbm>>
    %dma_start3A_19 = arith.constant 0 : i32
    %dma_start3A_20 = tpu.memref_slice %arg9[%dma_start3A_19] : memref<576xi32, #tpu.memory_space<vmem>> -> memref<560xi32, #tpu.memory_space<vmem>>
    %dma_start3A_21 = tpu.memref_slice %arg3[%mul3A_15] : memref<9152xi32, #tpu.memory_space<hbm>> -> memref<560xi32, #tpu.memory_space<hbm>>
    tpu.enqueue_dma source(%dma_start3A_21 : memref<560xi32, #tpu.memory_space<hbm>>) target(%dma_start3A_20 : memref<560xi32, #tpu.memory_space<vmem>>) target_semaphore(%arg22 : memref<!tpu.dma_semaphore, #tpu.memory_space<semaphore_mem>>)
    tpu.enqueue_dma source(%arg4 : memref<572xf32, #tpu.memory_space<hbm>>) target(%arg10 : memref<572xf32, #tpu.memory_space<vmem>>) target_semaphore(%arg22 : memref<!tpu.dma_semaphore, #tpu.memory_space<semaphore_mem>>)
    tpu.enqueue_dma source(%arg6 : memref<16xf32, #tpu.memory_space<hbm>>) target(%arg12 : memref<16xf32, #tpu.memory_space<vmem>>) target_semaphore(%arg22 : memref<!tpu.dma_semaphore, #tpu.memory_space<semaphore_mem>>)
    %lt3A_22 = arith.constant 12 : i32
    %lt3A_23 = arith.cmpi slt, %arg1, %lt3A_22 : i32
    %convert_element_type3A = arith.extui %lt3A_23 : i1 to i32
    %cond3A = arith.constant 0 : i32
    %cond3A_24 = arith.cmpi ne, %convert_element_type3A, %cond3A : i32
    scf.if %cond3A_24 {
      %add3A = arith.constant 36 : i32
      %add3A_193 = arith.addi %sub3A_4, %add3A : i32
      %sub3A_194 = arith.constant 1 : i32
      %sub3A_195 = arith.subi %add3A_193, %sub3A_194 : i32
      %mul3A_196 = arith.constant 16 : i32
      %mul3A_197 = arith.muli %sub3A_195, %mul3A_196 : i32
      %dma_start3A_198 = arith.constant 560 : i32
      %dma_start3A_199 = tpu.memref_slice %arg8[%dma_start3A_198] : memref<576xi32, #tpu.memory_space<vmem>> -> memref<16xi32, #tpu.memory_space<vmem>>
      %dma_start3A_200 = tpu.memref_slice %arg2[%mul3A_197] : memref<9152xi32, #tpu.memory_space<hbm>> -> memref<16xi32, #tpu.memory_space<hbm>>
      %dma_start3A_201 = arith.constant 560 : i32
      %dma_start3A_202 = tpu.memref_slice %arg8[%dma_start3A_201] : memref<576xi32, #tpu.memory_space<vmem>> -> memref<16xi32, #tpu.memory_space<vmem>>
      %dma_start3A_203 = tpu.memref_slice %arg2[%mul3A_197] : memref<9152xi32, #tpu.memory_space<hbm>> -> memref<16xi32, #tpu.memory_space<hbm>>
      tpu.enqueue_dma source(%dma_start3A_203 : memref<16xi32, #tpu.memory_space<hbm>>) target(%dma_start3A_202 : memref<16xi32, #tpu.memory_space<vmem>>) target_semaphore(%arg22 : memref<!tpu.dma_semaphore, #tpu.memory_space<semaphore_mem>>)
      %dma_wait3A_204 = arith.constant 560 : i32
      %dma_wait3A_205 = tpu.memref_slice %arg8[%dma_wait3A_204] : memref<576xi32, #tpu.memory_space<vmem>> -> memref<16xi32, #tpu.memory_space<vmem>>
      %dma_wait3A_206 = tpu.memref_slice %arg2[%mul3A_197] : memref<9152xi32, #tpu.memory_space<hbm>> -> memref<16xi32, #tpu.memory_space<hbm>>
      %dma_wait3A_207 = arith.constant 560 : i32
      %dma_wait3A_208 = tpu.memref_slice %arg8[%dma_wait3A_207] : memref<576xi32, #tpu.memory_space<vmem>> -> memref<16xi32, #tpu.memory_space<vmem>>
      %dma_wait3A_209 = tpu.memref_slice %arg2[%mul3A_197] : memref<9152xi32, #tpu.memory_space<hbm>> -> memref<16xi32, #tpu.memory_space<hbm>>
      tpu.wait_dma2 semaphore(%arg22 : memref<!tpu.dma_semaphore, #tpu.memory_space<semaphore_mem>>) src(%dma_wait3A_209 : memref<16xi32, #tpu.memory_space<hbm>>) dst(%dma_wait3A_208 : memref<16xi32, #tpu.memory_space<vmem>>)
      %dma_start3A_210 = arith.constant 560 : i32
      %dma_start3A_211 = tpu.memref_slice %arg9[%dma_start3A_210] : memref<576xi32, #tpu.memory_space<vmem>> -> memref<16xi32, #tpu.memory_space<vmem>>
      %dma_start3A_212 = tpu.memref_slice %arg3[%mul3A_197] : memref<9152xi32, #tpu.memory_space<hbm>> -> memref<16xi32, #tpu.memory_space<hbm>>
      %dma_start3A_213 = arith.constant 560 : i32
      %dma_start3A_214 = tpu.memref_slice %arg9[%dma_start3A_213] : memref<576xi32, #tpu.memory_space<vmem>> -> memref<16xi32, #tpu.memory_space<vmem>>
      %dma_start3A_215 = tpu.memref_slice %arg3[%mul3A_197] : memref<9152xi32, #tpu.memory_space<hbm>> -> memref<16xi32, #tpu.memory_space<hbm>>
      tpu.enqueue_dma source(%dma_start3A_215 : memref<16xi32, #tpu.memory_space<hbm>>) target(%dma_start3A_214 : memref<16xi32, #tpu.memory_space<vmem>>) target_semaphore(%arg22 : memref<!tpu.dma_semaphore, #tpu.memory_space<semaphore_mem>>)
      %dma_wait3A_216 = arith.constant 560 : i32
      %dma_wait3A_217 = tpu.memref_slice %arg9[%dma_wait3A_216] : memref<576xi32, #tpu.memory_space<vmem>> -> memref<16xi32, #tpu.memory_space<vmem>>
      %dma_wait3A_218 = tpu.memref_slice %arg3[%mul3A_197] : memref<9152xi32, #tpu.memory_space<hbm>> -> memref<16xi32, #tpu.memory_space<hbm>>
      %dma_wait3A_219 = arith.constant 560 : i32
      %dma_wait3A_220 = tpu.memref_slice %arg9[%dma_wait3A_219] : memref<576xi32, #tpu.memory_space<vmem>> -> memref<16xi32, #tpu.memory_space<vmem>>
      %dma_wait3A_221 = tpu.memref_slice %arg3[%mul3A_197] : memref<9152xi32, #tpu.memory_space<hbm>> -> memref<16xi32, #tpu.memory_space<hbm>>
      tpu.wait_dma2 semaphore(%arg22 : memref<!tpu.dma_semaphore, #tpu.memory_space<semaphore_mem>>) src(%dma_wait3A_221 : memref<16xi32, #tpu.memory_space<hbm>>) dst(%dma_wait3A_220 : memref<16xi32, #tpu.memory_space<vmem>>)
    } else {
    }
    %convert_element_type3A_25 = arith.extui %eq3A_0 : i1 to i32
    %cond3A_26 = arith.constant 0 : i32
    %cond3A_27 = arith.cmpi ne, %convert_element_type3A_25, %cond3A_26 : i32
    scf.if %cond3A_27 {
      tpu.enqueue_dma source(%arg5 : memref<572xf32, #tpu.memory_space<hbm>>) target(%arg11 : memref<572xf32, #tpu.memory_space<vmem>>) target_semaphore(%arg22 : memref<!tpu.dma_semaphore, #tpu.memory_space<semaphore_mem>>)
      tpu.wait_dma2 semaphore(%arg22 : memref<!tpu.dma_semaphore, #tpu.memory_space<semaphore_mem>>) src(%arg5 : memref<572xf32, #tpu.memory_space<hbm>>) dst(%arg11 : memref<572xf32, #tpu.memory_space<vmem>>)
    } else {
    }
    %dma_wait3A = arith.constant 0 : i32
    %dma_wait3A_28 = tpu.memref_slice %arg8[%dma_wait3A] : memref<576xi32, #tpu.memory_space<vmem>> -> memref<560xi32, #tpu.memory_space<vmem>>
    %dma_wait3A_29 = tpu.memref_slice %arg2[%mul3A_8] : memref<9152xi32, #tpu.memory_space<hbm>> -> memref<560xi32, #tpu.memory_space<hbm>>
    %dma_wait3A_30 = arith.constant 0 : i32
    %dma_wait3A_31 = tpu.memref_slice %arg8[%dma_wait3A_30] : memref<576xi32, #tpu.memory_space<vmem>> -> memref<560xi32, #tpu.memory_space<vmem>>
    %dma_wait3A_32 = tpu.memref_slice %arg2[%mul3A_8] : memref<9152xi32, #tpu.memory_space<hbm>> -> memref<560xi32, #tpu.memory_space<hbm>>
    tpu.wait_dma2 semaphore(%arg22 : memref<!tpu.dma_semaphore, #tpu.memory_space<semaphore_mem>>) src(%dma_wait3A_32 : memref<560xi32, #tpu.memory_space<hbm>>) dst(%dma_wait3A_31 : memref<560xi32, #tpu.memory_space<vmem>>)
    %dma_wait3A_33 = arith.constant 0 : i32
    %dma_wait3A_34 = tpu.memref_slice %arg9[%dma_wait3A_33] : memref<576xi32, #tpu.memory_space<vmem>> -> memref<560xi32, #tpu.memory_space<vmem>>
    %dma_wait3A_35 = tpu.memref_slice %arg3[%mul3A_15] : memref<9152xi32, #tpu.memory_space<hbm>> -> memref<560xi32, #tpu.memory_space<hbm>>
    %dma_wait3A_36 = arith.constant 0 : i32
    %dma_wait3A_37 = tpu.memref_slice %arg9[%dma_wait3A_36] : memref<576xi32, #tpu.memory_space<vmem>> -> memref<560xi32, #tpu.memory_space<vmem>>
    %dma_wait3A_38 = tpu.memref_slice %arg3[%mul3A_15] : memref<9152xi32, #tpu.memory_space<hbm>> -> memref<560xi32, #tpu.memory_space<hbm>>
    tpu.wait_dma2 semaphore(%arg22 : memref<!tpu.dma_semaphore, #tpu.memory_space<semaphore_mem>>) src(%dma_wait3A_38 : memref<560xi32, #tpu.memory_space<hbm>>) dst(%dma_wait3A_37 : memref<560xi32, #tpu.memory_space<vmem>>)
    tpu.wait_dma2 semaphore(%arg22 : memref<!tpu.dma_semaphore, #tpu.memory_space<semaphore_mem>>) src(%arg4 : memref<572xf32, #tpu.memory_space<hbm>>) dst(%arg10 : memref<572xf32, #tpu.memory_space<vmem>>)
    tpu.wait_dma2 semaphore(%arg22 : memref<!tpu.dma_semaphore, #tpu.memory_space<semaphore_mem>>) src(%arg6 : memref<16xf32, #tpu.memory_space<hbm>>) dst(%arg12 : memref<16xf32, #tpu.memory_space<vmem>>)
    %broadcast_in_dim3A = arith.constant 0.000000e+00 : f32
    %broadcast_in_dim3A_39 = vector.broadcast %broadcast_in_dim3A : f32 to vector<16xf32>
    %broadcast_in_dim3A_40 = arith.constant 1.000000e+00 : f32
    %broadcast_in_dim3A_41 = vector.broadcast %broadcast_in_dim3A_40 : f32 to vector<16xf32>
    %iota3A = tpu.iota {dimensions = array<i32: 0>} : vector<16xi32>
    %scan3A = arith.constant 0 : i32
    %scan3A_42 = arith.constant 0 : i32
    %scan3A_43 = arith.constant 16 : i32
    %scan3A_44 = arith.addi %scan3A_42, %scan3A_43 : i32
    %scan3A_45 = arith.constant 1 : i32
    scf.for %scan3A_193 = %scan3A_42 to %scan3A_44 step %scan3A_45  : i32 {
      %swap3A = arith.index_cast %scan3A_193 : i32 to index
      %swap3A_194 = arith.constant 0 : index
      %swap3A_195 = tpu.vector_load %arg19[%swap3A, %swap3A_194] {strides = array<i32>} : memref<16x40xf32, #tpu.memory_space<vmem>>, vector<16xf32>,
      tpu.vector_store %arg19[%swap3A, %swap3A_194], %broadcast_in_dim3A_39 {strides = array<i32>} : memref<16x40xf32, #tpu.memory_space<vmem>>, vector<16xf32>,
      %swap3A_196 = arith.index_cast %scan3A_193 : i32 to index
      %swap3A_197 = arith.constant 16 : index
      %swap3A_198 = tpu.vector_load %arg19[%swap3A_196, %swap3A_197] {strides = array<i32>} : memref<16x40xf32, #tpu.memory_space<vmem>>, vector<16xf32>,
      tpu.vector_store %arg19[%swap3A_196, %swap3A_197], %broadcast_in_dim3A_39 {strides = array<i32>} : memref<16x40xf32, #tpu.memory_space<vmem>>, vector<16xf32>,
      %swap3A_199 = arith.index_cast %scan3A_193 : i32 to index
      %swap3A_200 = arith.constant 24 : index
      %swap3A_201 = tpu.vector_load %arg19[%swap3A_199, %swap3A_200] {strides = array<i32>} : memref<16x40xf32, #tpu.memory_space<vmem>>, vector<16xf32>,
      tpu.vector_store %arg19[%swap3A_199, %swap3A_200], %broadcast_in_dim3A_39 {strides = array<i32>} : memref<16x40xf32, #tpu.memory_space<vmem>>, vector<16xf32>,
    }
    %scan3A_46 = arith.constant 16 : i32
    %while3A = arith.constant 0 : i32
    %while3A_47 = arith.constant 0 : i32
    %while3A_48 = arith.subi %select_n3A, %while3A_47 : i32
    %while3A_49 = arith.addi %while3A_47, %while3A_48 : i32
    %while3A_50 = arith.constant 1 : i32
    %while3A_51 = arith.divsi %while3A_48, %while3A_50 : i32
    %while3A_52 = arith.muli %while3A_51, %while3A_50 : i32
    %while3A_53 = arith.addi %while3A_47, %while3A_52 : i32
    %while3A_54 = arith.constant 1 : i32
    scf.for %while3A_193 = %while3A_47 to %while3A_53 step %while3A_54  : i32 {
      %mul3A_194 = arith.constant 16 : i32
      %mul3A_195 = arith.muli %while3A_193, %mul3A_194 : i32
      %get3A = arith.index_cast %mul3A_195 : i32 to index
      %get3A_196 = tpu.vector_load %arg8[%get3A] {strides = array<i32>} : memref<576xi32, #tpu.memory_space<vmem>>, vector<16xi32>,
      %get3A_197 = arith.index_cast %mul3A_195 : i32 to index
      %get3A_198 = tpu.vector_load %arg9[%get3A_197] {strides = array<i32>} : memref<576xi32, #tpu.memory_space<vmem>>, vector<16xi32>,
      %and3A = arith.constant 15 : i32
      %and3A_199 = vector.broadcast %and3A : i32 to vector<16xi32>
      %and3A_200 = arith.andi %get3A_196, %and3A_199 : vector<16xi32>
      %shift_right_arithmetic3A = arith.constant 4 : i32
      %shift_right_arithmetic3A_201 = vector.broadcast %shift_right_arithmetic3A : i32 to vector<16xi32>
      %shift_right_arithmetic3A_202 = arith.shrsi %get3A_196, %shift_right_arithmetic3A_201 : vector<16xi32>
      tpu.vector_store_idx %arg19[%and3A_200, %shift_right_arithmetic3A_202], %broadcast_in_dim3A_41 {add = true} : memref<16x40xf32, #tpu.memory_space<vmem>>[vector<16xi32>, vector<16xi32>], vector<16xf32>,
      %and3A_203 = arith.constant 15 : i32
      %and3A_204 = vector.broadcast %and3A_203 : i32 to vector<16xi32>
      %and3A_205 = arith.andi %get3A_198, %and3A_204 : vector<16xi32>
      %shift_right_arithmetic3A_206 = arith.constant 4 : i32
      %shift_right_arithmetic3A_207 = vector.broadcast %shift_right_arithmetic3A_206 : i32 to vector<16xi32>
      %shift_right_arithmetic3A_208 = arith.shrsi %get3A_198, %shift_right_arithmetic3A_207 : vector<16xi32>
      %add3A = arith.constant 20 : i32
      %add3A_209 = vector.broadcast %add3A : i32 to vector<16xi32>
      %add3A_210 = arith.addi %shift_right_arithmetic3A_208, %add3A_209 : vector<16xi32>
      tpu.vector_store_idx %arg19[%and3A_205, %add3A_210], %broadcast_in_dim3A_41 {add = true} : memref<16x40xf32, #tpu.memory_space<vmem>>[vector<16xi32>, vector<16xi32>], vector<16xf32>,
    }
    %while3A_55 = arith.constant 1 : i32
    scf.for %while3A_193 = %while3A_53 to %while3A_49 step %while3A_55  : i32 {
      %mul3A_194 = arith.constant 16 : i32
      %mul3A_195 = arith.muli %while3A_193, %mul3A_194 : i32
      %get3A = arith.index_cast %mul3A_195 : i32 to index
      %get3A_196 = tpu.vector_load %arg8[%get3A] {strides = array<i32>} : memref<576xi32, #tpu.memory_space<vmem>>, vector<16xi32>,
      %get3A_197 = arith.index_cast %mul3A_195 : i32 to index
      %get3A_198 = tpu.vector_load %arg9[%get3A_197] {strides = array<i32>} : memref<576xi32, #tpu.memory_space<vmem>>, vector<16xi32>,
      %and3A = arith.constant 15 : i32
      %and3A_199 = vector.broadcast %and3A : i32 to vector<16xi32>
      %and3A_200 = arith.andi %get3A_196, %and3A_199 : vector<16xi32>
      %shift_right_arithmetic3A = arith.constant 4 : i32
      %shift_right_arithmetic3A_201 = vector.broadcast %shift_right_arithmetic3A : i32 to vector<16xi32>
      %shift_right_arithmetic3A_202 = arith.shrsi %get3A_196, %shift_right_arithmetic3A_201 : vector<16xi32>
      tpu.vector_store_idx %arg19[%and3A_200, %shift_right_arithmetic3A_202], %broadcast_in_dim3A_41 {add = true} : memref<16x40xf32, #tpu.memory_space<vmem>>[vector<16xi32>, vector<16xi32>], vector<16xf32>,
      %and3A_203 = arith.constant 15 : i32
      %and3A_204 = vector.broadcast %and3A_203 : i32 to vector<16xi32>
      %and3A_205 = arith.andi %get3A_198, %and3A_204 : vector<16xi32>
      %shift_right_arithmetic3A_206 = arith.constant 4 : i32
      %shift_right_arithmetic3A_207 = vector.broadcast %shift_right_arithmetic3A_206 : i32 to vector<16xi32>
      %shift_right_arithmetic3A_208 = arith.shrsi %get3A_198, %shift_right_arithmetic3A_207 : vector<16xi32>
      %add3A = arith.constant 20 : i32
      %add3A_209 = vector.broadcast %add3A : i32 to vector<16xi32>
      %add3A_210 = arith.addi %shift_right_arithmetic3A_208, %add3A_209 : vector<16xi32>
      tpu.vector_store_idx %arg19[%and3A_205, %add3A_210], %broadcast_in_dim3A_41 {add = true} : memref<16x40xf32, #tpu.memory_space<vmem>>[vector<16xi32>, vector<16xi32>], vector<16xf32>,
    }
    %barrier3A = arith.constant 0 : index
    tpu.barrier barrier_id(%barrier3A)
    %eq3A_56 = arith.constant 0 : i32
    %eq3A_57 = arith.cmpi eq, %arg1, %eq3A_56 : i32
    %convert_element_type3A_58 = arith.extui %eq3A_57 : i1 to i32
    %cond3A_59 = arith.constant 0 : i32
    %cond3A_60 = arith.cmpi ne, %convert_element_type3A_58, %cond3A_59 : i32
    scf.if %cond3A_60 {
      "tpu.region"() ({
        %run_scoped3A = tpu.sem_alloc : memref<!tpu.dma_semaphore, #tpu.memory_space<semaphore_mem>>
        tpu.enqueue_dma source(%arg19 : memref<16x40xf32, #tpu.memory_space<vmem>>) target(%arg20 : memref<16x40xf32, #tpu.memory_space<vmem_shared>>) target_semaphore(%run_scoped3A : memref<!tpu.dma_semaphore, #tpu.memory_space<semaphore_mem>>)
        tpu.wait_dma2 semaphore(%run_scoped3A : memref<!tpu.dma_semaphore, #tpu.memory_space<semaphore_mem>>) src(%arg19 : memref<16x40xf32, #tpu.memory_space<vmem>>) dst(%arg20 : memref<16x40xf32, #tpu.memory_space<vmem_shared>>)
        tpu.yield
      }) : () -> ()
    } else {
    }
    %barrier3A_61 = arith.constant 0 : index
    tpu.barrier barrier_id(%barrier3A_61)
    %ne3A = arith.constant 0 : i32
    %ne3A_62 = arith.cmpi ne, %arg1, %ne3A : i32
    %convert_element_type3A_63 = arith.extui %ne3A_62 : i1 to i32
    %cond3A_64 = arith.constant 0 : i32
    %cond3A_65 = arith.cmpi ne, %convert_element_type3A_63, %cond3A_64 : i32
    scf.if %cond3A_65 {
      "tpu.region"() ({
        %run_scoped3A = tpu.sem_alloc : memref<!tpu.dma_semaphore, #tpu.memory_space<semaphore_mem>>
        %dma_start3A_193 = arith.constant 0 : i32
        %dma_start3A_194 = arith.constant 0 : i32
        %dma_start3A_195 = tpu.memref_slice %arg20[%dma_start3A_193, %dma_start3A_194] : memref<16x40xf32, #tpu.memory_space<vmem_shared>> -> memref<16x40xf32, #tpu.memory_space<vmem_shared>>
        tpu.enqueue_indirect_dma source(%arg19 : memref<16x40xf32, #tpu.memory_space<vmem>>) target(%dma_start3A_195 : memref<16x40xf32, #tpu.memory_space<vmem_shared>>) offsets(%iota3A : vector<16xi32>) semaphore(%run_scoped3A : memref<!tpu.dma_semaphore, #tpu.memory_space<semaphore_mem>>) {add = true}
        %dma_wait3A_196 = arith.constant 0 : i32
        %dma_wait3A_197 = arith.constant 0 : i32
        %dma_wait3A_198 = tpu.memref_slice %arg20[%dma_wait3A_196, %dma_wait3A_197] : memref<16x40xf32, #tpu.memory_space<vmem_shared>> -> memref<16x40xf32, #tpu.memory_space<vmem_shared>>
        tpu.wait_indirect_dma semaphore(%run_scoped3A : memref<!tpu.dma_semaphore, #tpu.memory_space<semaphore_mem>>) src(%arg19 : memref<16x40xf32, #tpu.memory_space<vmem>>) dst(%dma_wait3A_198 : memref<16x40xf32, #tpu.memory_space<vmem_shared>>)
        tpu.yield
      }) : () -> ()
    } else {
    }
    %barrier3A_66 = arith.constant 0 : index
    tpu.barrier barrier_id(%barrier3A_66)
    "tpu.region"() ({
      %run_scoped3A = tpu.sem_alloc : memref<!tpu.dma_semaphore, #tpu.memory_space<semaphore_mem>>
      tpu.enqueue_dma source(%arg20 : memref<16x40xf32, #tpu.memory_space<vmem_shared>>) target(%arg19 : memref<16x40xf32, #tpu.memory_space<vmem>>) target_semaphore(%run_scoped3A : memref<!tpu.dma_semaphore, #tpu.memory_space<semaphore_mem>>)
      tpu.wait_dma2 semaphore(%run_scoped3A : memref<!tpu.dma_semaphore, #tpu.memory_space<semaphore_mem>>) src(%arg20 : memref<16x40xf32, #tpu.memory_space<vmem_shared>>) dst(%arg19 : memref<16x40xf32, #tpu.memory_space<vmem>>)
      tpu.yield
    }) : () -> ()
    %scan3A_67 = arith.constant 0 : i32
    %scan3A_68 = arith.constant 0 : i32
    %scan3A_69 = arith.constant 18 : i32
    %scan3A_70 = arith.addi %scan3A_68, %scan3A_69 : i32
    %scan3A_71 = arith.constant 1 : i32
    scf.for %scan3A_193 = %scan3A_68 to %scan3A_70 step %scan3A_71  : i32 {
      %mul3A_194 = arith.constant 16 : i32
      %mul3A_195 = arith.muli %scan3A_193, %mul3A_194 : i32
      %broadcast_in_dim3A_196 = vector.broadcast %scan3A_193 : i32 to vector<16xi32>
      %gather3A_197 = tpu.vector_load_idx %arg19[%iota3A, %broadcast_in_dim3A_196] : memref<16x40xf32, #tpu.memory_space<vmem>>[vector<16xi32>, vector<16xi32>], vector<16xf32>,
      %add3A = arith.constant 20 : i32
      %add3A_198 = vector.broadcast %add3A : i32 to vector<16xi32>
      %add3A_199 = arith.addi %broadcast_in_dim3A_196, %add3A_198 : vector<16xi32>
      %gather3A_200 = tpu.vector_load_idx %arg19[%iota3A, %add3A_199] : memref<16x40xf32, #tpu.memory_space<vmem>>[vector<16xi32>, vector<16xi32>], vector<16xf32>,
      %max3A_201 = arith.constant 1.000000e+00 : f32
      %max3A_202 = vector.broadcast %max3A_201 : f32 to vector<16xf32>
      %max3A_203 = arith.maximumf %gather3A_197, %max3A_202 : vector<16xf32>
      %bitcast3A = vector.bitcast %max3A_203 : vector<16xf32> to vector<16xi32>
      %shift_right_arithmetic3A = arith.constant 1 : i32
      %shift_right_arithmetic3A_204 = vector.broadcast %shift_right_arithmetic3A : i32 to vector<16xi32>
      %shift_right_arithmetic3A_205 = arith.shrsi %bitcast3A, %shift_right_arithmetic3A_204 : vector<16xi32>
      %sub3A_206 = arith.constant 1597463007 : i32
      %sub3A_207 = vector.broadcast %sub3A_206 : i32 to vector<16xi32>
      %sub3A_208 = arith.subi %sub3A_207, %shift_right_arithmetic3A_205 : vector<16xi32>
      %bitcast3A_209 = vector.bitcast %sub3A_208 : vector<16xi32> to vector<16xf32>
      %mul3A_210 = arith.constant 5.000000e-01 : f32
      %mul3A_211 = vector.broadcast %mul3A_210 : f32 to vector<16xf32>
      %mul3A_212 = arith.mulf %mul3A_211, %max3A_203 : vector<16xf32>
      %mul3A_213 = arith.mulf %mul3A_212, %bitcast3A_209 : vector<16xf32>
      %mul3A_214 = arith.mulf %mul3A_213, %bitcast3A_209 : vector<16xf32>
      %sub3A_215 = arith.constant 1.500000e+00 : f32
      %sub3A_216 = vector.broadcast %sub3A_215 : f32 to vector<16xf32>
      %sub3A_217 = arith.subf %sub3A_216, %mul3A_214 : vector<16xf32>
      %mul3A_218 = arith.mulf %bitcast3A_209, %sub3A_217 : vector<16xf32>
      %mul3A_219 = arith.constant 5.000000e-01 : f32
      %mul3A_220 = vector.broadcast %mul3A_219 : f32 to vector<16xf32>
      %mul3A_221 = arith.mulf %mul3A_220, %max3A_203 : vector<16xf32>
      %mul3A_222 = arith.mulf %mul3A_221, %mul3A_218 : vector<16xf32>
      %mul3A_223 = arith.mulf %mul3A_222, %mul3A_218 : vector<16xf32>
      %sub3A_224 = arith.constant 1.500000e+00 : f32
      %sub3A_225 = vector.broadcast %sub3A_224 : f32 to vector<16xf32>
      %sub3A_226 = arith.subf %sub3A_225, %mul3A_223 : vector<16xf32>
      %mul3A_227 = arith.mulf %mul3A_218, %sub3A_226 : vector<16xf32>
      %mul3A_228 = arith.constant 5.000000e-01 : f32
      %mul3A_229 = vector.broadcast %mul3A_228 : f32 to vector<16xf32>
      %mul3A_230 = arith.mulf %mul3A_229, %max3A_203 : vector<16xf32>
      %mul3A_231 = arith.mulf %mul3A_230, %mul3A_227 : vector<16xf32>
      %mul3A_232 = arith.mulf %mul3A_231, %mul3A_227 : vector<16xf32>
      %sub3A_233 = arith.constant 1.500000e+00 : f32
      %sub3A_234 = vector.broadcast %sub3A_233 : f32 to vector<16xf32>
      %sub3A_235 = arith.subf %sub3A_234, %mul3A_232 : vector<16xf32>
      %mul3A_236 = arith.mulf %mul3A_227, %sub3A_235 : vector<16xf32>
      %swap3A = arith.index_cast %mul3A_195 : i32 to index
      %swap3A_237 = tpu.vector_load %arg17[%swap3A] {strides = array<i32>} : memref<288xf32, #tpu.memory_space<vmem>>, vector<16xf32>,
      tpu.vector_store %arg17[%swap3A], %mul3A_236 {strides = array<i32>} : memref<288xf32, #tpu.memory_space<vmem>>, vector<16xf32>,
      %max3A_238 = arith.constant 1.000000e+00 : f32
      %max3A_239 = vector.broadcast %max3A_238 : f32 to vector<16xf32>
      %max3A_240 = arith.maximumf %gather3A_200, %max3A_239 : vector<16xf32>
      %bitcast3A_241 = vector.bitcast %max3A_240 : vector<16xf32> to vector<16xi32>
      %shift_right_arithmetic3A_242 = arith.constant 1 : i32
      %shift_right_arithmetic3A_243 = vector.broadcast %shift_right_arithmetic3A_242 : i32 to vector<16xi32>
      %shift_right_arithmetic3A_244 = arith.shrsi %bitcast3A_241, %shift_right_arithmetic3A_243 : vector<16xi32>
      %sub3A_245 = arith.constant 1597463007 : i32
      %sub3A_246 = vector.broadcast %sub3A_245 : i32 to vector<16xi32>
      %sub3A_247 = arith.subi %sub3A_246, %shift_right_arithmetic3A_244 : vector<16xi32>
      %bitcast3A_248 = vector.bitcast %sub3A_247 : vector<16xi32> to vector<16xf32>
      %mul3A_249 = arith.constant 5.000000e-01 : f32
      %mul3A_250 = vector.broadcast %mul3A_249 : f32 to vector<16xf32>
      %mul3A_251 = arith.mulf %mul3A_250, %max3A_240 : vector<16xf32>
      %mul3A_252 = arith.mulf %mul3A_251, %bitcast3A_248 : vector<16xf32>
      %mul3A_253 = arith.mulf %mul3A_252, %bitcast3A_248 : vector<16xf32>
      %sub3A_254 = arith.constant 1.500000e+00 : f32
      %sub3A_255 = vector.broadcast %sub3A_254 : f32 to vector<16xf32>
      %sub3A_256 = arith.subf %sub3A_255, %mul3A_253 : vector<16xf32>
      %mul3A_257 = arith.mulf %bitcast3A_248, %sub3A_256 : vector<16xf32>
      %mul3A_258 = arith.constant 5.000000e-01 : f32
      %mul3A_259 = vector.broadcast %mul3A_258 : f32 to vector<16xf32>
      %mul3A_260 = arith.mulf %mul3A_259, %max3A_240 : vector<16xf32>
      %mul3A_261 = arith.mulf %mul3A_260, %mul3A_257 : vector<16xf32>
      %mul3A_262 = arith.mulf %mul3A_261, %mul3A_257 : vector<16xf32>
      %sub3A_263 = arith.constant 1.500000e+00 : f32
      %sub3A_264 = vector.broadcast %sub3A_263 : f32 to vector<16xf32>
      %sub3A_265 = arith.subf %sub3A_264, %mul3A_262 : vector<16xf32>
      %mul3A_266 = arith.mulf %mul3A_257, %sub3A_265 : vector<16xf32>
      %mul3A_267 = arith.constant 5.000000e-01 : f32
      %mul3A_268 = vector.broadcast %mul3A_267 : f32 to vector<16xf32>
      %mul3A_269 = arith.mulf %mul3A_268, %max3A_240 : vector<16xf32>
      %mul3A_270 = arith.mulf %mul3A_269, %mul3A_266 : vector<16xf32>
      %mul3A_271 = arith.mulf %mul3A_270, %mul3A_266 : vector<16xf32>
      %sub3A_272 = arith.constant 1.500000e+00 : f32
      %sub3A_273 = vector.broadcast %sub3A_272 : f32 to vector<16xf32>
      %sub3A_274 = arith.subf %sub3A_273, %mul3A_271 : vector<16xf32>
      %mul3A_275 = arith.mulf %mul3A_266, %sub3A_274 : vector<16xf32>
      %swap3A_276 = arith.index_cast %mul3A_195 : i32 to index
      %swap3A_277 = tpu.vector_load %arg18[%swap3A_276] {strides = array<i32>} : memref<288xf32, #tpu.memory_space<vmem>>, vector<16xf32>,
      tpu.vector_store %arg18[%swap3A_276], %mul3A_275 {strides = array<i32>} : memref<288xf32, #tpu.memory_space<vmem>>, vector<16xf32>,
    }
    %scan3A_72 = arith.constant 18 : i32
    %broadcast_in_dim3A_73 = arith.constant 0 : i32
    %broadcast_in_dim3A_74 = vector.broadcast %broadcast_in_dim3A_73 : i32 to vector<16xi32>
    %gather3A = tpu.vector_load_idx %arg12[%broadcast_in_dim3A_74] : memref<16xf32, #tpu.memory_space<vmem>>[vector<16xi32>], vector<16xf32>,
    %broadcast_in_dim3A_75 = arith.constant 1 : i32
    %broadcast_in_dim3A_76 = vector.broadcast %broadcast_in_dim3A_75 : i32 to vector<16xi32>
    %gather3A_77 = tpu.vector_load_idx %arg12[%broadcast_in_dim3A_76] : memref<16xf32, #tpu.memory_space<vmem>>[vector<16xi32>], vector<16xf32>,
    %broadcast_in_dim3A_78 = arith.constant 2 : i32
    %broadcast_in_dim3A_79 = vector.broadcast %broadcast_in_dim3A_78 : i32 to vector<16xi32>
    %gather3A_80 = tpu.vector_load_idx %arg12[%broadcast_in_dim3A_79] : memref<16xf32, #tpu.memory_space<vmem>>[vector<16xi32>], vector<16xf32>,
    %broadcast_in_dim3A_81 = arith.constant 3 : i32
    %broadcast_in_dim3A_82 = vector.broadcast %broadcast_in_dim3A_81 : i32 to vector<16xi32>
    %gather3A_83 = tpu.vector_load_idx %arg12[%broadcast_in_dim3A_82] : memref<16xf32, #tpu.memory_space<vmem>>[vector<16xi32>], vector<16xf32>,
    %broadcast_in_dim3A_84 = arith.constant 4 : i32
    %broadcast_in_dim3A_85 = vector.broadcast %broadcast_in_dim3A_84 : i32 to vector<16xi32>
    %gather3A_86 = tpu.vector_load_idx %arg12[%broadcast_in_dim3A_85] : memref<16xf32, #tpu.memory_space<vmem>>[vector<16xi32>], vector<16xf32>,
    %broadcast_in_dim3A_87 = arith.constant 5 : i32
    %broadcast_in_dim3A_88 = vector.broadcast %broadcast_in_dim3A_87 : i32 to vector<16xi32>
    %gather3A_89 = tpu.vector_load_idx %arg12[%broadcast_in_dim3A_88] : memref<16xf32, #tpu.memory_space<vmem>>[vector<16xi32>], vector<16xf32>,
    %scan3A_90 = arith.constant 0 : i32
    %scan3A_91 = arith.constant 0 : i32
    %scan3A_92 = arith.constant 18 : i32
    %scan3A_93 = arith.addi %scan3A_91, %scan3A_92 : i32
    %scan3A_94 = arith.constant 1 : i32
    scf.for %scan3A_193 = %scan3A_91 to %scan3A_93 step %scan3A_94  : i32 {
      %mul3A_194 = arith.constant 16 : i32
      %mul3A_195 = arith.muli %scan3A_193, %mul3A_194 : i32
      %get3A = arith.index_cast %mul3A_195 : i32 to index
      %get3A_196 = tpu.vector_load %arg17[%get3A] {strides = array<i32>} : memref<288xf32, #tpu.memory_space<vmem>>, vector<16xf32>,
      %mul3A_197 = arith.constant 16 : i32
      %mul3A_198 = arith.muli %scan3A_193, %mul3A_197 : i32
      %broadcast_in_dim3A_199 = vector.broadcast %mul3A_198 : i32 to vector<16xi32>
      %add3A = arith.addi %iota3A, %broadcast_in_dim3A_199 : vector<16xi32>
      %mul3A_200 = arith.constant 2 : i32
      %mul3A_201 = vector.broadcast %mul3A_200 : i32 to vector<16xi32>
      %mul3A_202 = arith.muli %add3A, %mul3A_201 : vector<16xi32>
      %gather3A_203 = tpu.vector_load_idx %arg10[%mul3A_202] : memref<572xf32, #tpu.memory_space<vmem>>[vector<16xi32>], vector<16xf32>,
      %mul3A_204 = arith.mulf %gather3A_203, %get3A_196 : vector<16xf32>
      %mul3A_205 = arith.constant 16 : i32
      %mul3A_206 = arith.muli %scan3A_193, %mul3A_205 : i32
      %broadcast_in_dim3A_207 = vector.broadcast %mul3A_206 : i32 to vector<16xi32>
      %add3A_208 = arith.addi %iota3A, %broadcast_in_dim3A_207 : vector<16xi32>
      %mul3A_209 = arith.constant 2 : i32
      %mul3A_210 = vector.broadcast %mul3A_209 : i32 to vector<16xi32>
      %mul3A_211 = arith.muli %add3A_208, %mul3A_210 : vector<16xi32>
      %add3A_212 = arith.constant 1 : i32
      %add3A_213 = vector.broadcast %add3A_212 : i32 to vector<16xi32>
      %add3A_214 = arith.addi %mul3A_211, %add3A_213 : vector<16xi32>
      %gather3A_215 = tpu.vector_load_idx %arg10[%add3A_214] : memref<572xf32, #tpu.memory_space<vmem>>[vector<16xi32>], vector<16xf32>,
      %mul3A_216 = arith.mulf %gather3A_215, %get3A_196 : vector<16xf32>
      %mul3A_217 = arith.mulf %mul3A_204, %gather3A : vector<16xf32>
      %mul3A_218 = arith.mulf %mul3A_216, %gather3A_80 : vector<16xf32>
      %add3A_219 = arith.addf %mul3A_217, %mul3A_218 : vector<16xf32>
      %swap3A = arith.index_cast %mul3A_195 : i32 to index
      %swap3A_220 = tpu.vector_load %arg15[%swap3A] {strides = array<i32>} : memref<288xf32, #tpu.memory_space<vmem>>, vector<16xf32>,
      tpu.vector_store %arg15[%swap3A], %add3A_219 {strides = array<i32>} : memref<288xf32, #tpu.memory_space<vmem>>, vector<16xf32>,
      %mul3A_221 = arith.mulf %mul3A_204, %gather3A_77 : vector<16xf32>
      %mul3A_222 = arith.mulf %mul3A_216, %gather3A_83 : vector<16xf32>
      %add3A_223 = arith.addf %mul3A_221, %mul3A_222 : vector<16xf32>
      %swap3A_224 = arith.index_cast %mul3A_195 : i32 to index
      %swap3A_225 = tpu.vector_load %arg16[%swap3A_224] {strides = array<i32>} : memref<288xf32, #tpu.memory_space<vmem>>, vector<16xf32>,
      tpu.vector_store %arg16[%swap3A_224], %add3A_223 {strides = array<i32>} : memref<288xf32, #tpu.memory_space<vmem>>, vector<16xf32>,
    }
    %scan3A_95 = arith.constant 18 : i32
    %scan3A_96 = arith.constant 0 : i32
    %scan3A_97 = arith.constant 0 : i32
    %scan3A_98 = arith.constant 16 : i32
    %scan3A_99 = arith.addi %scan3A_97, %scan3A_98 : i32
    %scan3A_100 = arith.constant 1 : i32
    scf.for %scan3A_193 = %scan3A_97 to %scan3A_99 step %scan3A_100  : i32 {
      %swap3A = arith.index_cast %scan3A_193 : i32 to index
      %swap3A_194 = arith.constant 0 : index
      %swap3A_195 = tpu.vector_load %arg19[%swap3A, %swap3A_194] {strides = array<i32>} : memref<16x40xf32, #tpu.memory_space<vmem>>, vector<16xf32>,
      tpu.vector_store %arg19[%swap3A, %swap3A_194], %broadcast_in_dim3A_39 {strides = array<i32>} : memref<16x40xf32, #tpu.memory_space<vmem>>, vector<16xf32>,
      %swap3A_196 = arith.index_cast %scan3A_193 : i32 to index
      %swap3A_197 = arith.constant 16 : index
      %swap3A_198 = tpu.vector_load %arg19[%swap3A_196, %swap3A_197] {strides = array<i32>} : memref<16x40xf32, #tpu.memory_space<vmem>>, vector<16xf32>,
      tpu.vector_store %arg19[%swap3A_196, %swap3A_197], %broadcast_in_dim3A_39 {strides = array<i32>} : memref<16x40xf32, #tpu.memory_space<vmem>>, vector<16xf32>,
      %swap3A_199 = arith.index_cast %scan3A_193 : i32 to index
      %swap3A_200 = arith.constant 24 : index
      %swap3A_201 = tpu.vector_load %arg19[%swap3A_199, %swap3A_200] {strides = array<i32>} : memref<16x40xf32, #tpu.memory_space<vmem>>, vector<16xf32>,
      tpu.vector_store %arg19[%swap3A_199, %swap3A_200], %broadcast_in_dim3A_39 {strides = array<i32>} : memref<16x40xf32, #tpu.memory_space<vmem>>, vector<16xf32>,
    }
    %scan3A_101 = arith.constant 16 : i32
    %while3A_102 = arith.constant 0 : i32
    %while3A_103 = arith.constant 0 : i32
    %while3A_104 = arith.subi %select_n3A, %while3A_103 : i32
    %while3A_105 = arith.addi %while3A_103, %while3A_104 : i32
    %while3A_106 = arith.constant 1 : i32
    %while3A_107 = arith.divsi %while3A_104, %while3A_106 : i32
    %while3A_108 = arith.muli %while3A_107, %while3A_106 : i32
    %while3A_109 = arith.addi %while3A_103, %while3A_108 : i32
    %while3A_110 = arith.constant 1 : i32
    scf.for %while3A_193 = %while3A_103 to %while3A_109 step %while3A_110  : i32 {
      %mul3A_194 = arith.constant 16 : i32
      %mul3A_195 = arith.muli %while3A_193, %mul3A_194 : i32
      %get3A = arith.index_cast %mul3A_195 : i32 to index
      %get3A_196 = tpu.vector_load %arg8[%get3A] {strides = array<i32>} : memref<576xi32, #tpu.memory_space<vmem>>, vector<16xi32>,
      %get3A_197 = arith.index_cast %mul3A_195 : i32 to index
      %get3A_198 = tpu.vector_load %arg9[%get3A_197] {strides = array<i32>} : memref<576xi32, #tpu.memory_space<vmem>>, vector<16xi32>,
      %gather3A_199 = tpu.vector_load_idx %arg15[%get3A_196] : memref<288xf32, #tpu.memory_space<vmem>>[vector<16xi32>], vector<16xf32>,
      %gather3A_200 = tpu.vector_load_idx %arg16[%get3A_196] : memref<288xf32, #tpu.memory_space<vmem>>[vector<16xi32>], vector<16xf32>,
      %and3A = arith.constant 15 : i32
      %and3A_201 = vector.broadcast %and3A : i32 to vector<16xi32>
      %and3A_202 = arith.andi %get3A_198, %and3A_201 : vector<16xi32>
      %shift_right_arithmetic3A = arith.constant 4 : i32
      %shift_right_arithmetic3A_203 = vector.broadcast %shift_right_arithmetic3A : i32 to vector<16xi32>
      %shift_right_arithmetic3A_204 = arith.shrsi %get3A_198, %shift_right_arithmetic3A_203 : vector<16xi32>
      tpu.vector_store_idx %arg19[%and3A_202, %shift_right_arithmetic3A_204], %gather3A_199 {add = true} : memref<16x40xf32, #tpu.memory_space<vmem>>[vector<16xi32>, vector<16xi32>], vector<16xf32>,
      %add3A = arith.constant 20 : i32
      %add3A_205 = vector.broadcast %add3A : i32 to vector<16xi32>
      %add3A_206 = arith.addi %shift_right_arithmetic3A_204, %add3A_205 : vector<16xi32>
      tpu.vector_store_idx %arg19[%and3A_202, %add3A_206], %gather3A_200 {add = true} : memref<16x40xf32, #tpu.memory_space<vmem>>[vector<16xi32>, vector<16xi32>], vector<16xf32>,
    }
    %while3A_111 = arith.constant 1 : i32
    scf.for %while3A_193 = %while3A_109 to %while3A_105 step %while3A_111  : i32 {
      %mul3A_194 = arith.constant 16 : i32
      %mul3A_195 = arith.muli %while3A_193, %mul3A_194 : i32
      %get3A = arith.index_cast %mul3A_195 : i32 to index
      %get3A_196 = tpu.vector_load %arg8[%get3A] {strides = array<i32>} : memref<576xi32, #tpu.memory_space<vmem>>, vector<16xi32>,
      %get3A_197 = arith.index_cast %mul3A_195 : i32 to index
      %get3A_198 = tpu.vector_load %arg9[%get3A_197] {strides = array<i32>} : memref<576xi32, #tpu.memory_space<vmem>>, vector<16xi32>,
      %gather3A_199 = tpu.vector_load_idx %arg15[%get3A_196] : memref<288xf32, #tpu.memory_space<vmem>>[vector<16xi32>], vector<16xf32>,
      %gather3A_200 = tpu.vector_load_idx %arg16[%get3A_196] : memref<288xf32, #tpu.memory_space<vmem>>[vector<16xi32>], vector<16xf32>,
      %and3A = arith.constant 15 : i32
      %and3A_201 = vector.broadcast %and3A : i32 to vector<16xi32>
      %and3A_202 = arith.andi %get3A_198, %and3A_201 : vector<16xi32>
      %shift_right_arithmetic3A = arith.constant 4 : i32
      %shift_right_arithmetic3A_203 = vector.broadcast %shift_right_arithmetic3A : i32 to vector<16xi32>
      %shift_right_arithmetic3A_204 = arith.shrsi %get3A_198, %shift_right_arithmetic3A_203 : vector<16xi32>
      tpu.vector_store_idx %arg19[%and3A_202, %shift_right_arithmetic3A_204], %gather3A_199 {add = true} : memref<16x40xf32, #tpu.memory_space<vmem>>[vector<16xi32>, vector<16xi32>], vector<16xf32>,
      %add3A = arith.constant 20 : i32
      %add3A_205 = vector.broadcast %add3A : i32 to vector<16xi32>
      %add3A_206 = arith.addi %shift_right_arithmetic3A_204, %add3A_205 : vector<16xi32>
      tpu.vector_store_idx %arg19[%and3A_202, %add3A_206], %gather3A_200 {add = true} : memref<16x40xf32, #tpu.memory_space<vmem>>[vector<16xi32>, vector<16xi32>], vector<16xf32>,
    }
    %barrier3A_112 = arith.constant 0 : index
    tpu.barrier barrier_id(%barrier3A_112)
    %eq3A_113 = arith.constant 0 : i32
    %eq3A_114 = arith.cmpi eq, %arg1, %eq3A_113 : i32
    %convert_element_type3A_115 = arith.extui %eq3A_114 : i1 to i32
    %cond3A_116 = arith.constant 0 : i32
    %cond3A_117 = arith.cmpi ne, %convert_element_type3A_115, %cond3A_116 : i32
    scf.if %cond3A_117 {
      "tpu.region"() ({
        %run_scoped3A = tpu.sem_alloc : memref<!tpu.dma_semaphore, #tpu.memory_space<semaphore_mem>>
        tpu.enqueue_dma source(%arg19 : memref<16x40xf32, #tpu.memory_space<vmem>>) target(%arg20 : memref<16x40xf32, #tpu.memory_space<vmem_shared>>) target_semaphore(%run_scoped3A : memref<!tpu.dma_semaphore, #tpu.memory_space<semaphore_mem>>)
        tpu.wait_dma2 semaphore(%run_scoped3A : memref<!tpu.dma_semaphore, #tpu.memory_space<semaphore_mem>>) src(%arg19 : memref<16x40xf32, #tpu.memory_space<vmem>>) dst(%arg20 : memref<16x40xf32, #tpu.memory_space<vmem_shared>>)
        tpu.yield
      }) : () -> ()
    } else {
    }
    %barrier3A_118 = arith.constant 0 : index
    tpu.barrier barrier_id(%barrier3A_118)
    %ne3A_119 = arith.constant 0 : i32
    %ne3A_120 = arith.cmpi ne, %arg1, %ne3A_119 : i32
    %convert_element_type3A_121 = arith.extui %ne3A_120 : i1 to i32
    %cond3A_122 = arith.constant 0 : i32
    %cond3A_123 = arith.cmpi ne, %convert_element_type3A_121, %cond3A_122 : i32
    scf.if %cond3A_123 {
      "tpu.region"() ({
        %run_scoped3A = tpu.sem_alloc : memref<!tpu.dma_semaphore, #tpu.memory_space<semaphore_mem>>
        %dma_start3A_193 = arith.constant 0 : i32
        %dma_start3A_194 = arith.constant 0 : i32
        %dma_start3A_195 = tpu.memref_slice %arg20[%dma_start3A_193, %dma_start3A_194] : memref<16x40xf32, #tpu.memory_space<vmem_shared>> -> memref<16x40xf32, #tpu.memory_space<vmem_shared>>
        tpu.enqueue_indirect_dma source(%arg19 : memref<16x40xf32, #tpu.memory_space<vmem>>) target(%dma_start3A_195 : memref<16x40xf32, #tpu.memory_space<vmem_shared>>) offsets(%iota3A : vector<16xi32>) semaphore(%run_scoped3A : memref<!tpu.dma_semaphore, #tpu.memory_space<semaphore_mem>>) {add = true}
        %dma_wait3A_196 = arith.constant 0 : i32
        %dma_wait3A_197 = arith.constant 0 : i32
        %dma_wait3A_198 = tpu.memref_slice %arg20[%dma_wait3A_196, %dma_wait3A_197] : memref<16x40xf32, #tpu.memory_space<vmem_shared>> -> memref<16x40xf32, #tpu.memory_space<vmem_shared>>
        tpu.wait_indirect_dma semaphore(%run_scoped3A : memref<!tpu.dma_semaphore, #tpu.memory_space<semaphore_mem>>) src(%arg19 : memref<16x40xf32, #tpu.memory_space<vmem>>) dst(%dma_wait3A_198 : memref<16x40xf32, #tpu.memory_space<vmem_shared>>)
        tpu.yield
      }) : () -> ()
    } else {
    }
    %barrier3A_124 = arith.constant 0 : index
    tpu.barrier barrier_id(%barrier3A_124)
    "tpu.region"() ({
      %run_scoped3A = tpu.sem_alloc : memref<!tpu.dma_semaphore, #tpu.memory_space<semaphore_mem>>
      tpu.enqueue_dma source(%arg20 : memref<16x40xf32, #tpu.memory_space<vmem_shared>>) target(%arg19 : memref<16x40xf32, #tpu.memory_space<vmem>>) target_semaphore(%run_scoped3A : memref<!tpu.dma_semaphore, #tpu.memory_space<semaphore_mem>>)
      tpu.wait_dma2 semaphore(%run_scoped3A : memref<!tpu.dma_semaphore, #tpu.memory_space<semaphore_mem>>) src(%arg20 : memref<16x40xf32, #tpu.memory_space<vmem_shared>>) dst(%arg19 : memref<16x40xf32, #tpu.memory_space<vmem>>)
      tpu.yield
    }) : () -> ()
    %scan3A_125 = arith.constant 0 : i32
    %scan3A_126 = arith.constant 0 : i32
    %scan3A_127 = arith.constant 18 : i32
    %scan3A_128 = arith.addi %scan3A_126, %scan3A_127 : i32
    %scan3A_129 = arith.constant 1 : i32
    scf.for %scan3A_193 = %scan3A_126 to %scan3A_128 step %scan3A_129  : i32 {
      %mul3A_194 = arith.constant 16 : i32
      %mul3A_195 = arith.muli %scan3A_193, %mul3A_194 : i32
      %get3A = arith.index_cast %mul3A_195 : i32 to index
      %get3A_196 = tpu.vector_load %arg18[%get3A] {strides = array<i32>} : memref<288xf32, #tpu.memory_space<vmem>>, vector<16xf32>,
      %broadcast_in_dim3A_197 = vector.broadcast %scan3A_193 : i32 to vector<16xi32>
      %gather3A_198 = tpu.vector_load_idx %arg19[%iota3A, %broadcast_in_dim3A_197] : memref<16x40xf32, #tpu.memory_space<vmem>>[vector<16xi32>, vector<16xi32>], vector<16xf32>,
      %add3A = arith.constant 20 : i32
      %add3A_199 = vector.broadcast %add3A : i32 to vector<16xi32>
      %add3A_200 = arith.addi %broadcast_in_dim3A_197, %add3A_199 : vector<16xi32>
      %gather3A_201 = tpu.vector_load_idx %arg19[%iota3A, %add3A_200] : memref<16x40xf32, #tpu.memory_space<vmem>>[vector<16xi32>, vector<16xi32>], vector<16xf32>,
      %mul3A_202 = arith.mulf %gather3A_198, %get3A_196 : vector<16xf32>
      %add3A_203 = arith.addf %mul3A_202, %gather3A_86 : vector<16xf32>
      %max3A_204 = arith.constant 0.000000e+00 : f32
      %max3A_205 = vector.broadcast %max3A_204 : f32 to vector<16xf32>
      %max3A_206 = arith.maximumf %add3A_203, %max3A_205 : vector<16xf32>
      %swap3A = arith.index_cast %mul3A_195 : i32 to index
      %swap3A_207 = tpu.vector_load %arg13[%swap3A] {strides = array<i32>} : memref<288xf32, #tpu.memory_space<vmem>>, vector<16xf32>,
      tpu.vector_store %arg13[%swap3A], %max3A_206 {strides = array<i32>} : memref<288xf32, #tpu.memory_space<vmem>>, vector<16xf32>,
      %mul3A_208 = arith.mulf %gather3A_201, %get3A_196 : vector<16xf32>
      %add3A_209 = arith.addf %mul3A_208, %gather3A_89 : vector<16xf32>
      %max3A_210 = arith.constant 0.000000e+00 : f32
      %max3A_211 = vector.broadcast %max3A_210 : f32 to vector<16xf32>
      %max3A_212 = arith.maximumf %add3A_209, %max3A_211 : vector<16xf32>
      %swap3A_213 = arith.index_cast %mul3A_195 : i32 to index
      %swap3A_214 = tpu.vector_load %arg14[%swap3A_213] {strides = array<i32>} : memref<288xf32, #tpu.memory_space<vmem>>, vector<16xf32>,
      tpu.vector_store %arg14[%swap3A_213], %max3A_212 {strides = array<i32>} : memref<288xf32, #tpu.memory_space<vmem>>, vector<16xf32>,
    }
    %scan3A_130 = arith.constant 18 : i32
    %broadcast_in_dim3A_131 = arith.constant 6 : i32
    %broadcast_in_dim3A_132 = vector.broadcast %broadcast_in_dim3A_131 : i32 to vector<16xi32>
    %gather3A_133 = tpu.vector_load_idx %arg12[%broadcast_in_dim3A_132] : memref<16xf32, #tpu.memory_space<vmem>>[vector<16xi32>], vector<16xf32>,
    %broadcast_in_dim3A_134 = arith.constant 7 : i32
    %broadcast_in_dim3A_135 = vector.broadcast %broadcast_in_dim3A_134 : i32 to vector<16xi32>
    %gather3A_136 = tpu.vector_load_idx %arg12[%broadcast_in_dim3A_135] : memref<16xf32, #tpu.memory_space<vmem>>[vector<16xi32>], vector<16xf32>,
    %broadcast_in_dim3A_137 = arith.constant 8 : i32
    %broadcast_in_dim3A_138 = vector.broadcast %broadcast_in_dim3A_137 : i32 to vector<16xi32>
    %gather3A_139 = tpu.vector_load_idx %arg12[%broadcast_in_dim3A_138] : memref<16xf32, #tpu.memory_space<vmem>>[vector<16xi32>], vector<16xf32>,
    %broadcast_in_dim3A_140 = arith.constant 9 : i32
    %broadcast_in_dim3A_141 = vector.broadcast %broadcast_in_dim3A_140 : i32 to vector<16xi32>
    %gather3A_142 = tpu.vector_load_idx %arg12[%broadcast_in_dim3A_141] : memref<16xf32, #tpu.memory_space<vmem>>[vector<16xi32>], vector<16xf32>,
    %broadcast_in_dim3A_143 = arith.constant 10 : i32
    %broadcast_in_dim3A_144 = vector.broadcast %broadcast_in_dim3A_143 : i32 to vector<16xi32>
    %gather3A_145 = tpu.vector_load_idx %arg12[%broadcast_in_dim3A_144] : memref<16xf32, #tpu.memory_space<vmem>>[vector<16xi32>], vector<16xf32>,
    %broadcast_in_dim3A_146 = arith.constant 11 : i32
    %broadcast_in_dim3A_147 = vector.broadcast %broadcast_in_dim3A_146 : i32 to vector<16xi32>
    %gather3A_148 = tpu.vector_load_idx %arg12[%broadcast_in_dim3A_147] : memref<16xf32, #tpu.memory_space<vmem>>[vector<16xi32>], vector<16xf32>,
    %scan3A_149 = arith.constant 0 : i32
    %scan3A_150 = arith.constant 0 : i32
    %scan3A_151 = arith.constant 18 : i32
    %scan3A_152 = arith.addi %scan3A_150, %scan3A_151 : i32
    %scan3A_153 = arith.constant 1 : i32
    scf.for %scan3A_193 = %scan3A_150 to %scan3A_152 step %scan3A_153  : i32 {
      %mul3A_194 = arith.constant 16 : i32
      %mul3A_195 = arith.muli %scan3A_193, %mul3A_194 : i32
      %get3A = arith.index_cast %mul3A_195 : i32 to index
      %get3A_196 = tpu.vector_load %arg17[%get3A] {strides = array<i32>} : memref<288xf32, #tpu.memory_space<vmem>>, vector<16xf32>,
      %mul3A_197 = arith.constant 16 : i32
      %mul3A_198 = arith.muli %scan3A_193, %mul3A_197 : i32
      %get3A_199 = arith.index_cast %mul3A_198 : i32 to index
      %get3A_200 = tpu.vector_load %arg13[%get3A_199] {strides = array<i32>} : memref<288xf32, #tpu.memory_space<vmem>>, vector<16xf32>,
      %mul3A_201 = arith.mulf %get3A_200, %get3A_196 : vector<16xf32>
      %mul3A_202 = arith.constant 16 : i32
      %mul3A_203 = arith.muli %scan3A_193, %mul3A_202 : i32
      %get3A_204 = arith.index_cast %mul3A_203 : i32 to index
      %get3A_205 = tpu.vector_load %arg14[%get3A_204] {strides = array<i32>} : memref<288xf32, #tpu.memory_space<vmem>>, vector<16xf32>,
      %mul3A_206 = arith.mulf %get3A_205, %get3A_196 : vector<16xf32>
      %mul3A_207 = arith.mulf %mul3A_201, %gather3A_133 : vector<16xf32>
      %mul3A_208 = arith.mulf %mul3A_206, %gather3A_139 : vector<16xf32>
      %add3A = arith.addf %mul3A_207, %mul3A_208 : vector<16xf32>
      %swap3A = arith.index_cast %mul3A_195 : i32 to index
      %swap3A_209 = tpu.vector_load %arg15[%swap3A] {strides = array<i32>} : memref<288xf32, #tpu.memory_space<vmem>>, vector<16xf32>,
      tpu.vector_store %arg15[%swap3A], %add3A {strides = array<i32>} : memref<288xf32, #tpu.memory_space<vmem>>, vector<16xf32>,
      %mul3A_210 = arith.mulf %mul3A_201, %gather3A_136 : vector<16xf32>
      %mul3A_211 = arith.mulf %mul3A_206, %gather3A_142 : vector<16xf32>
      %add3A_212 = arith.addf %mul3A_210, %mul3A_211 : vector<16xf32>
      %swap3A_213 = arith.index_cast %mul3A_195 : i32 to index
      %swap3A_214 = tpu.vector_load %arg16[%swap3A_213] {strides = array<i32>} : memref<288xf32, #tpu.memory_space<vmem>>, vector<16xf32>,
      tpu.vector_store %arg16[%swap3A_213], %add3A_212 {strides = array<i32>} : memref<288xf32, #tpu.memory_space<vmem>>, vector<16xf32>,
    }
    %scan3A_154 = arith.constant 18 : i32
    %scan3A_155 = arith.constant 0 : i32
    %scan3A_156 = arith.constant 0 : i32
    %scan3A_157 = arith.constant 16 : i32
    %scan3A_158 = arith.addi %scan3A_156, %scan3A_157 : i32
    %scan3A_159 = arith.constant 1 : i32
    scf.for %scan3A_193 = %scan3A_156 to %scan3A_158 step %scan3A_159  : i32 {
      %swap3A = arith.index_cast %scan3A_193 : i32 to index
      %swap3A_194 = arith.constant 0 : index
      %swap3A_195 = tpu.vector_load %arg19[%swap3A, %swap3A_194] {strides = array<i32>} : memref<16x40xf32, #tpu.memory_space<vmem>>, vector<16xf32>,
      tpu.vector_store %arg19[%swap3A, %swap3A_194], %broadcast_in_dim3A_39 {strides = array<i32>} : memref<16x40xf32, #tpu.memory_space<vmem>>, vector<16xf32>,
      %swap3A_196 = arith.index_cast %scan3A_193 : i32 to index
      %swap3A_197 = arith.constant 16 : index
      %swap3A_198 = tpu.vector_load %arg19[%swap3A_196, %swap3A_197] {strides = array<i32>} : memref<16x40xf32, #tpu.memory_space<vmem>>, vector<16xf32>,
      tpu.vector_store %arg19[%swap3A_196, %swap3A_197], %broadcast_in_dim3A_39 {strides = array<i32>} : memref<16x40xf32, #tpu.memory_space<vmem>>, vector<16xf32>,
      %swap3A_199 = arith.index_cast %scan3A_193 : i32 to index
      %swap3A_200 = arith.constant 24 : index
      %swap3A_201 = tpu.vector_load %arg19[%swap3A_199, %swap3A_200] {strides = array<i32>} : memref<16x40xf32, #tpu.memory_space<vmem>>, vector<16xf32>,
      tpu.vector_store %arg19[%swap3A_199, %swap3A_200], %broadcast_in_dim3A_39 {strides = array<i32>} : memref<16x40xf32, #tpu.memory_space<vmem>>, vector<16xf32>,
    }
    %scan3A_160 = arith.constant 16 : i32
    %while3A_161 = arith.constant 0 : i32
    %while3A_162 = arith.constant 0 : i32
    %while3A_163 = arith.subi %select_n3A, %while3A_162 : i32
    %while3A_164 = arith.addi %while3A_162, %while3A_163 : i32
    %while3A_165 = arith.constant 1 : i32
    %while3A_166 = arith.divsi %while3A_163, %while3A_165 : i32
    %while3A_167 = arith.muli %while3A_166, %while3A_165 : i32
    %while3A_168 = arith.addi %while3A_162, %while3A_167 : i32
    %while3A_169 = arith.constant 1 : i32
    scf.for %while3A_193 = %while3A_162 to %while3A_168 step %while3A_169  : i32 {
      %mul3A_194 = arith.constant 16 : i32
      %mul3A_195 = arith.muli %while3A_193, %mul3A_194 : i32
      %get3A = arith.index_cast %mul3A_195 : i32 to index
      %get3A_196 = tpu.vector_load %arg8[%get3A] {strides = array<i32>} : memref<576xi32, #tpu.memory_space<vmem>>, vector<16xi32>,
      %get3A_197 = arith.index_cast %mul3A_195 : i32 to index
      %get3A_198 = tpu.vector_load %arg9[%get3A_197] {strides = array<i32>} : memref<576xi32, #tpu.memory_space<vmem>>, vector<16xi32>,
      %gather3A_199 = tpu.vector_load_idx %arg15[%get3A_196] : memref<288xf32, #tpu.memory_space<vmem>>[vector<16xi32>], vector<16xf32>,
      %gather3A_200 = tpu.vector_load_idx %arg16[%get3A_196] : memref<288xf32, #tpu.memory_space<vmem>>[vector<16xi32>], vector<16xf32>,
      %and3A = arith.constant 15 : i32
      %and3A_201 = vector.broadcast %and3A : i32 to vector<16xi32>
      %and3A_202 = arith.andi %get3A_198, %and3A_201 : vector<16xi32>
      %shift_right_arithmetic3A = arith.constant 4 : i32
      %shift_right_arithmetic3A_203 = vector.broadcast %shift_right_arithmetic3A : i32 to vector<16xi32>
      %shift_right_arithmetic3A_204 = arith.shrsi %get3A_198, %shift_right_arithmetic3A_203 : vector<16xi32>
      tpu.vector_store_idx %arg19[%and3A_202, %shift_right_arithmetic3A_204], %gather3A_199 {add = true} : memref<16x40xf32, #tpu.memory_space<vmem>>[vector<16xi32>, vector<16xi32>], vector<16xf32>,
      %add3A = arith.constant 20 : i32
      %add3A_205 = vector.broadcast %add3A : i32 to vector<16xi32>
      %add3A_206 = arith.addi %shift_right_arithmetic3A_204, %add3A_205 : vector<16xi32>
      tpu.vector_store_idx %arg19[%and3A_202, %add3A_206], %gather3A_200 {add = true} : memref<16x40xf32, #tpu.memory_space<vmem>>[vector<16xi32>, vector<16xi32>], vector<16xf32>,
    }
    %while3A_170 = arith.constant 1 : i32
    scf.for %while3A_193 = %while3A_168 to %while3A_164 step %while3A_170  : i32 {
      %mul3A_194 = arith.constant 16 : i32
      %mul3A_195 = arith.muli %while3A_193, %mul3A_194 : i32
      %get3A = arith.index_cast %mul3A_195 : i32 to index
      %get3A_196 = tpu.vector_load %arg8[%get3A] {strides = array<i32>} : memref<576xi32, #tpu.memory_space<vmem>>, vector<16xi32>,
      %get3A_197 = arith.index_cast %mul3A_195 : i32 to index
      %get3A_198 = tpu.vector_load %arg9[%get3A_197] {strides = array<i32>} : memref<576xi32, #tpu.memory_space<vmem>>, vector<16xi32>,
      %gather3A_199 = tpu.vector_load_idx %arg15[%get3A_196] : memref<288xf32, #tpu.memory_space<vmem>>[vector<16xi32>], vector<16xf32>,
      %gather3A_200 = tpu.vector_load_idx %arg16[%get3A_196] : memref<288xf32, #tpu.memory_space<vmem>>[vector<16xi32>], vector<16xf32>,
      %and3A = arith.constant 15 : i32
      %and3A_201 = vector.broadcast %and3A : i32 to vector<16xi32>
      %and3A_202 = arith.andi %get3A_198, %and3A_201 : vector<16xi32>
      %shift_right_arithmetic3A = arith.constant 4 : i32
      %shift_right_arithmetic3A_203 = vector.broadcast %shift_right_arithmetic3A : i32 to vector<16xi32>
      %shift_right_arithmetic3A_204 = arith.shrsi %get3A_198, %shift_right_arithmetic3A_203 : vector<16xi32>
      tpu.vector_store_idx %arg19[%and3A_202, %shift_right_arithmetic3A_204], %gather3A_199 {add = true} : memref<16x40xf32, #tpu.memory_space<vmem>>[vector<16xi32>, vector<16xi32>], vector<16xf32>,
      %add3A = arith.constant 20 : i32
      %add3A_205 = vector.broadcast %add3A : i32 to vector<16xi32>
      %add3A_206 = arith.addi %shift_right_arithmetic3A_204, %add3A_205 : vector<16xi32>
      tpu.vector_store_idx %arg19[%and3A_202, %add3A_206], %gather3A_200 {add = true} : memref<16x40xf32, #tpu.memory_space<vmem>>[vector<16xi32>, vector<16xi32>], vector<16xf32>,
    }
    %barrier3A_171 = arith.constant 0 : index
    tpu.barrier barrier_id(%barrier3A_171)
    %eq3A_172 = arith.constant 0 : i32
    %eq3A_173 = arith.cmpi eq, %arg1, %eq3A_172 : i32
    %convert_element_type3A_174 = arith.extui %eq3A_173 : i1 to i32
    %cond3A_175 = arith.constant 0 : i32
    %cond3A_176 = arith.cmpi ne, %convert_element_type3A_174, %cond3A_175 : i32
    scf.if %cond3A_176 {
      "tpu.region"() ({
        %run_scoped3A = tpu.sem_alloc : memref<!tpu.dma_semaphore, #tpu.memory_space<semaphore_mem>>
        tpu.enqueue_dma source(%arg19 : memref<16x40xf32, #tpu.memory_space<vmem>>) target(%arg20 : memref<16x40xf32, #tpu.memory_space<vmem_shared>>) target_semaphore(%run_scoped3A : memref<!tpu.dma_semaphore, #tpu.memory_space<semaphore_mem>>)
        tpu.wait_dma2 semaphore(%run_scoped3A : memref<!tpu.dma_semaphore, #tpu.memory_space<semaphore_mem>>) src(%arg19 : memref<16x40xf32, #tpu.memory_space<vmem>>) dst(%arg20 : memref<16x40xf32, #tpu.memory_space<vmem_shared>>)
        tpu.yield
      }) : () -> ()
    } else {
    }
    %barrier3A_177 = arith.constant 0 : index
    tpu.barrier barrier_id(%barrier3A_177)
    %ne3A_178 = arith.constant 0 : i32
    %ne3A_179 = arith.cmpi ne, %arg1, %ne3A_178 : i32
    %convert_element_type3A_180 = arith.extui %ne3A_179 : i1 to i32
    %cond3A_181 = arith.constant 0 : i32
    %cond3A_182 = arith.cmpi ne, %convert_element_type3A_180, %cond3A_181 : i32
    scf.if %cond3A_182 {
      "tpu.region"() ({
        %run_scoped3A = tpu.sem_alloc : memref<!tpu.dma_semaphore, #tpu.memory_space<semaphore_mem>>
        %dma_start3A_193 = arith.constant 0 : i32
        %dma_start3A_194 = arith.constant 0 : i32
        %dma_start3A_195 = tpu.memref_slice %arg20[%dma_start3A_193, %dma_start3A_194] : memref<16x40xf32, #tpu.memory_space<vmem_shared>> -> memref<16x40xf32, #tpu.memory_space<vmem_shared>>
        tpu.enqueue_indirect_dma source(%arg19 : memref<16x40xf32, #tpu.memory_space<vmem>>) target(%dma_start3A_195 : memref<16x40xf32, #tpu.memory_space<vmem_shared>>) offsets(%iota3A : vector<16xi32>) semaphore(%run_scoped3A : memref<!tpu.dma_semaphore, #tpu.memory_space<semaphore_mem>>) {add = true}
        %dma_wait3A_196 = arith.constant 0 : i32
        %dma_wait3A_197 = arith.constant 0 : i32
        %dma_wait3A_198 = tpu.memref_slice %arg20[%dma_wait3A_196, %dma_wait3A_197] : memref<16x40xf32, #tpu.memory_space<vmem_shared>> -> memref<16x40xf32, #tpu.memory_space<vmem_shared>>
        tpu.wait_indirect_dma semaphore(%run_scoped3A : memref<!tpu.dma_semaphore, #tpu.memory_space<semaphore_mem>>) src(%arg19 : memref<16x40xf32, #tpu.memory_space<vmem>>) dst(%dma_wait3A_198 : memref<16x40xf32, #tpu.memory_space<vmem_shared>>)
        tpu.yield
      }) : () -> ()
    } else {
    }
    %barrier3A_183 = arith.constant 0 : index
    tpu.barrier barrier_id(%barrier3A_183)
    "tpu.region"() ({
      %run_scoped3A = tpu.sem_alloc : memref<!tpu.dma_semaphore, #tpu.memory_space<semaphore_mem>>
      tpu.enqueue_dma source(%arg20 : memref<16x40xf32, #tpu.memory_space<vmem_shared>>) target(%arg19 : memref<16x40xf32, #tpu.memory_space<vmem>>) target_semaphore(%run_scoped3A : memref<!tpu.dma_semaphore, #tpu.memory_space<semaphore_mem>>)
      tpu.wait_dma2 semaphore(%run_scoped3A : memref<!tpu.dma_semaphore, #tpu.memory_space<semaphore_mem>>) src(%arg20 : memref<16x40xf32, #tpu.memory_space<vmem_shared>>) dst(%arg19 : memref<16x40xf32, #tpu.memory_space<vmem>>)
      tpu.yield
    }) : () -> ()
    %scan3A_184 = arith.constant 0 : i32
    %scan3A_185 = arith.constant 0 : i32
    %scan3A_186 = arith.constant 18 : i32
    %scan3A_187 = arith.addi %scan3A_185, %scan3A_186 : i32
    %scan3A_188 = arith.constant 1 : i32
    scf.for %scan3A_193 = %scan3A_185 to %scan3A_187 step %scan3A_188  : i32 {
      %mul3A_194 = arith.constant 16 : i32
      %mul3A_195 = arith.muli %scan3A_193, %mul3A_194 : i32
      %get3A = arith.index_cast %mul3A_195 : i32 to index
      %get3A_196 = tpu.vector_load %arg18[%get3A] {strides = array<i32>} : memref<288xf32, #tpu.memory_space<vmem>>, vector<16xf32>,
      %broadcast_in_dim3A_197 = vector.broadcast %scan3A_193 : i32 to vector<16xi32>
      %gather3A_198 = tpu.vector_load_idx %arg19[%iota3A, %broadcast_in_dim3A_197] : memref<16x40xf32, #tpu.memory_space<vmem>>[vector<16xi32>, vector<16xi32>], vector<16xf32>,
      %add3A = arith.constant 20 : i32
      %add3A_199 = vector.broadcast %add3A : i32 to vector<16xi32>
      %add3A_200 = arith.addi %broadcast_in_dim3A_197, %add3A_199 : vector<16xi32>
      %gather3A_201 = tpu.vector_load_idx %arg19[%iota3A, %add3A_200] : memref<16x40xf32, #tpu.memory_space<vmem>>[vector<16xi32>, vector<16xi32>], vector<16xf32>,
      %mul3A_202 = arith.mulf %gather3A_198, %get3A_196 : vector<16xf32>
      %add3A_203 = arith.addf %mul3A_202, %gather3A_145 : vector<16xf32>
      %max3A_204 = arith.constant 0.000000e+00 : f32
      %max3A_205 = vector.broadcast %max3A_204 : f32 to vector<16xf32>
      %max3A_206 = arith.maximumf %add3A_203, %max3A_205 : vector<16xf32>
      %swap3A = arith.index_cast %mul3A_195 : i32 to index
      %swap3A_207 = tpu.vector_load %arg13[%swap3A] {strides = array<i32>} : memref<288xf32, #tpu.memory_space<vmem>>, vector<16xf32>,
      tpu.vector_store %arg13[%swap3A], %max3A_206 {strides = array<i32>} : memref<288xf32, #tpu.memory_space<vmem>>, vector<16xf32>,
      %mul3A_208 = arith.mulf %gather3A_201, %get3A_196 : vector<16xf32>
      %add3A_209 = arith.addf %mul3A_208, %gather3A_148 : vector<16xf32>
      %max3A_210 = arith.constant 0.000000e+00 : f32
      %max3A_211 = vector.broadcast %max3A_210 : f32 to vector<16xf32>
      %max3A_212 = arith.maximumf %add3A_209, %max3A_211 : vector<16xf32>
      %swap3A_213 = arith.index_cast %mul3A_195 : i32 to index
      %swap3A_214 = tpu.vector_load %arg14[%swap3A_213] {strides = array<i32>} : memref<288xf32, #tpu.memory_space<vmem>>, vector<16xf32>,
      tpu.vector_store %arg14[%swap3A_213], %max3A_212 {strides = array<i32>} : memref<288xf32, #tpu.memory_space<vmem>>, vector<16xf32>,
    }
    %scan3A_189 = arith.constant 18 : i32
    %convert_element_type3A_190 = arith.extui %eq3A_0 : i1 to i32
    %cond3A_191 = arith.constant 0 : i32
    %cond3A_192 = arith.cmpi ne, %convert_element_type3A_190, %cond3A_191 : i32
    scf.if %cond3A_192 {
      %scan3A_193 = arith.constant 0 : i32
      %scan3A_194 = arith.constant 18 : i32
      %scan3A_195 = arith.addi %scan3A_193, %scan3A_194 : i32
      %scan3A_196 = arith.constant 1 : i32
      %scan3A_197 = scf.for %scan3A_214 = %scan3A_193 to %scan3A_195 step %scan3A_196 iter_args(%scan3A_215 = %broadcast_in_dim3A_39) -> (vector<16xf32>)  : i32 {
        %mul3A_216 = arith.constant 16 : i32
        %mul3A_217 = arith.muli %scan3A_214, %mul3A_216 : i32
        %mul3A_218 = arith.constant 16 : i32
        %mul3A_219 = arith.muli %scan3A_214, %mul3A_218 : i32
        %broadcast_in_dim3A_220 = vector.broadcast %mul3A_219 : i32 to vector<16xi32>
        %add3A_221 = arith.addi %iota3A, %broadcast_in_dim3A_220 : vector<16xi32>
        %min3A = arith.constant 285 : i32
        %min3A_222 = vector.broadcast %min3A : i32 to vector<16xi32>
        %min3A_223 = arith.minsi %add3A_221, %min3A_222 : vector<16xi32>
        %mul3A_224 = arith.constant 2 : i32
        %mul3A_225 = vector.broadcast %mul3A_224 : i32 to vector<16xi32>
        %mul3A_226 = arith.muli %min3A_223, %mul3A_225 : vector<16xi32>
        %gather3A_227 = tpu.vector_load_idx %arg11[%mul3A_226] : memref<572xf32, #tpu.memory_space<vmem>>[vector<16xi32>], vector<16xf32>,
        %add3A_228 = arith.constant 1 : i32
        %add3A_229 = vector.broadcast %add3A_228 : i32 to vector<16xi32>
        %add3A_230 = arith.addi %mul3A_226, %add3A_229 : vector<16xi32>
        %gather3A_231 = tpu.vector_load_idx %arg11[%add3A_230] : memref<572xf32, #tpu.memory_space<vmem>>[vector<16xi32>], vector<16xf32>,
        %get3A = arith.index_cast %mul3A_217 : i32 to index
        %get3A_232 = tpu.vector_load %arg13[%get3A] {strides = array<i32>} : memref<288xf32, #tpu.memory_space<vmem>>, vector<16xf32>,
        %mul3A_233 = arith.mulf %get3A_232, %gather3A_227 : vector<16xf32>
        %get3A_234 = arith.index_cast %mul3A_217 : i32 to index
        %get3A_235 = tpu.vector_load %arg14[%get3A_234] {strides = array<i32>} : memref<288xf32, #tpu.memory_space<vmem>>, vector<16xf32>,
        %mul3A_236 = arith.mulf %get3A_235, %gather3A_231 : vector<16xf32>
        %add3A_237 = arith.addf %mul3A_233, %mul3A_236 : vector<16xf32>
        %lt3A_238 = arith.constant 286 : i32
        %lt3A_239 = vector.broadcast %lt3A_238 : i32 to vector<16xi32>
        %lt3A_240 = arith.cmpi slt, %add3A_221, %lt3A_239 : vector<16xi32>
        %jit3A_241 = arith.constant 0.000000e+00 : f32
        %broadcast_in_dim3A_242 = vector.broadcast %jit3A_241 : f32 to vector<16xf32>
        %select_n3A_243 = arith.select %lt3A_240, %add3A_237, %broadcast_in_dim3A_242 : vector<16xi1>, vector<16xf32>
        %add3A_244 = arith.addf %scan3A_215, %select_n3A_243 : vector<16xf32>
        scf.yield %add3A_244 : vector<16xf32>
      }
      %scan3A_198 = arith.constant 18 : i32
      %reduce_sum3A = arith.constant true
      %reduce_sum3A_199 = vector.broadcast %reduce_sum3A : i1 to vector<16xi1>
      %reduce_sum3A_200 = tpu.scan <sum>, %scan3A_197 masked %reduce_sum3A_199 : vector<16xf32>, vector<16xi1> -> vector<16xf32>
      %reduce_sum3A_201 = vector.extract %reduce_sum3A_200[15] : f32 from vector<16xf32>
      %broadcast_in_dim3A_202 = vector.broadcast %reduce_sum3A_201 : f32 to vector<16xf32>
      %broadcast_in_dim3A_203 = arith.constant 12 : i32
      %broadcast_in_dim3A_204 = vector.broadcast %broadcast_in_dim3A_203 : i32 to vector<16xi32>
      %gather3A_205 = tpu.vector_load_idx %arg12[%broadcast_in_dim3A_204] : memref<16xf32, #tpu.memory_space<vmem>>[vector<16xi32>], vector<16xf32>,
      %add3A = arith.addf %broadcast_in_dim3A_202, %gather3A_205 : vector<16xf32>
      %neg3A = arith.constant 0.000000e+00 : f32
      %neg3A_206 = vector.broadcast %neg3A : f32 to vector<16xf32>
      %neg3A_207 = arith.subf %neg3A_206, %add3A : vector<16xf32>
      %exp3A = math.exp %neg3A_207 : vector<16xf32>
      %add3A_208 = arith.constant 1.000000e+00 : f32
      %add3A_209 = vector.broadcast %add3A_208 : f32 to vector<16xf32>
      %add3A_210 = arith.addf %add3A_209, %exp3A : vector<16xf32>
      %div3A = arith.constant 1.000000e+00 : f32
      %div3A_211 = vector.broadcast %div3A : f32 to vector<16xf32>
      %div3A_212 = arith.divf %div3A_211, %add3A_210 : vector<16xf32>
      %swap3A = arith.constant 0 : index
      %swap3A_213 = tpu.vector_load %arg21[%swap3A] {strides = array<i32>} : memref<16xf32, #tpu.memory_space<vmem>>, vector<16xf32>,
      tpu.vector_store %arg21[%swap3A], %div3A_212 {strides = array<i32>} : memref<16xf32, #tpu.memory_space<vmem>>, vector<16xf32>,
      "tpu.region"() ({
        %run_scoped3A = tpu.sem_alloc : memref<!tpu.dma_semaphore, #tpu.memory_space<semaphore_mem>>
        tpu.enqueue_dma source(%arg21 : memref<16xf32, #tpu.memory_space<vmem>>) target(%arg7 : memref<16xf32, #tpu.memory_space<hbm>>) target_semaphore(%run_scoped3A : memref<!tpu.dma_semaphore, #tpu.memory_space<semaphore_mem>>)
        tpu.wait_dma2 semaphore(%run_scoped3A : memref<!tpu.dma_semaphore, #tpu.memory_space<semaphore_mem>>) src(%arg21 : memref<16xf32, #tpu.memory_space<vmem>>) dst(%arg7 : memref<16xf32, #tpu.memory_space<hbm>>)
        tpu.yield
      }) : () -> ()
    } else {
    }
    return
  }
}

</mosaic_0001>

<sc_bundles>
// kernel: kernel.3.cloned.1.call-start
scs
__scs_entry_jumppad:
0x0: {  	(pc) =	sbr.rel $0x88, $3  }
0x1: {  	(tag) =	ssettag $0x0;
	lr =	simm.s32 $0x1  }
0x2: {  	[smem:$0x3F99] =	sst lr;
	_ =	strace $0xD0000000  }
0x3: {  	_ = 	snop  }
0x4: {  	_ = 	snop  }
0x5: {  	_ = 	snop  }
0x6: {  	_ = 	snop  }
0x7: {  	_ = 	snop  }
__scs_overlays_trampoline_lowered:
0x8: {  	[smem:$0x3FA8] =	sst s0  }
0x9: {  	[smem:$0x3FA9] =	sst s1  }
0xa: {  	[smem:$0x3FAA] =	sst s2  }
0xb: {  	[smem:$0x3FAB] =	sst s3  }
0xc: {  	[smem:$0x3FAC] =	sst s4  }
0xd: {  	[smem:$0x3FAD] =	sst s5  }
0xe: {  	[smem:$0x3FAE] =	sst s6  }
0xf: {  	[smem:$0x3FAF] =	sst s7  }
0x10: {  	[smem:$0x3FB0] =	sst s8  }
0x11: {  	[smem:$0x3FB1] =	sst s9;
	s0 =	simm.s32 @!p0 $0x0  }
0x12: {  	s1 =	sld [smem:$0x3F97];
	s0 =	simm.s32 @p0 $0x1  }
0x13: {  	[smem:$0x3FB2] =	sst s0;
	s0 =	simm.s32 @!p1 $0x0  }
0x14: {  	s2 =	sld [smem:$0x3F96];
	s0 =	simm.s32 @p1 $0x1  }
0x15: {  	[smem:$0x3FB3] =	sst s0;
	s0 =	simm.s32 @!p2 $0x0  }
0x16: {  	s3 =	sld [smem:$0x3FDB];
	s0 =	simm.s32 @p2 $0x1  }
0x17: {  	s4 =	simm.s32 $0x1BF5;
	[smem:$0x3FB5] =	sst s0  }
0x18: {  	s0 =	sld [smem:$0x3F98];
	_ =	swait.ge [sflag:s4], $0x0  }
0x19: {  	s7 =	sld [smem:$0x3F99]  }
0x1a: {  	s8 =	sadd.s32 $0xFFFFE003, lr  }
0x1b: {  	s9 =	sadd.s32 $0xFFFFFEF7, lr;
	s5 =	simm.s32 $0xFFFFFFFF;
	p2 =	slt.u32 s8, $0xFFFFF086  }
0x1c: {  	p1 =	slt.u32 s9, $0xF7A;
	s5 =	simm.s32 @!p2 $0x0  }
0x1d: {  	s5 =	simm.s32 @p1 $0x1;
	p0 =	seq.s32 s7, s2  }
0x1e: {  	s7 =	smul.u32 @!p0 $0xF7A, s2;
	p2 =	seq.s32 @!p0 s5, $0x0  }
0x1f: {  	s9 =	smul.u32 $0xF7A, s1;
	s8 =	simm.s32 @!p0 $0x1BF5;
	p2 =	por !p2, p0  }
0x20: {  	[sflag:s8] =	ssyncset.s32 @!p0 $0xFFFFF086;
	s6 =	sadd.s32 @!p0 s3, s7;
	s7 =	simm.s32 @!p0 $0x108  }
0x21: {  	s3 =	sadd.s32 s3, s9;
	s6 =	sadd.s32 @!p0 $0x88, s6;
	s7 =	simm.s32 @p2 $0x1082  }
0x22: {  	[simem:s7], [sflag:s8] =	dma.local @!p0 [hbm:s6], $0xF7A  }
0x23: {  	s9 =	sor.u32 $0xD0000000, s2;
	s6 =	simm.s32 $0x108;
	_ =	swait.ge @!p0 [sflag:s8], $0x0  }
0x24: {  	s3 =	sadd.s32 $0x88, s3;
	s6 =	simm.s32 @!p1 $0x1082;
	[sflag:s4] =	ssyncset.s32 $0xFFFFF086  }
0x25: {  	[simem:s6], [sflag:s4] =	dma.local [hbm:s3], $0xF7A  }
0x26: {  	[smem:$0x3F99] =	sst s1;
	(tag) =	ssettag s2;
	_ =	strace s9  }
0x27: {  	s1 =	sld [smem:$0x3FA9]  }
0x28: {  	s2 =	sld [smem:$0x3FAA]  }
0x29: {  	s4 =	sld [smem:$0x3FAC]  }
0x2a: {  	p0 =	seq.s32 s5, $0x0;
	s5 =	sld [smem:$0x3FAD]  }
0x2b: {  	s6 =	sld [smem:$0x3FAE]  }
0x2c: {  	s7 =	sld [smem:$0x3FAF]  }
0x2d: {  	s3 =	simm.s32 $0x108;
	s8 =	sld [smem:$0x3FB0]  }
0x2e: {  	s3 =	simm.s32 @!p0 $0x1082;
	s9 =	sld [smem:$0x3FB1]  }
0x2f: {  	lr =	sadd.s32 s0, s3;
	s0 =	sld [smem:$0x3FA8]  }
0x30: {  	s3 =	sld [smem:$0x3FAB]  }
0x31: {  	[smem:$0x3FB4] =	sst s10  }
0x32: {  	s10 =	sld [smem:$0x3FB2];
	_ =	sdelay $0x3  }
0x33: {  	p0 =	seq.s32 s10, $0x1;
	s10 =	sld [smem:$0x3FB4];
	_ =	sdelay $0x3  }
0x34: {  	[smem:$0x3FB4] =	sst s10  }
0x35: {  	s10 =	sld [smem:$0x3FB3];
	_ =	sdelay $0x3  }
0x36: {  	p1 =	seq.s32 s10, $0x1;
	s10 =	sld [smem:$0x3FB4];
	_ =	sdelay $0x3  }
0x37: {  	[smem:$0x3FB4] =	sst s10  }
0x38: {  	s10 =	sld [smem:$0x3FB5]  }
0x39: {  	_ = 	snop;
	(pc) =	sbr.ind lr, $3  }
0x3a: {  	_ = 	snop  }
0x3b: {  	_ = 	snop  }
0x3c: {  	p2 =	seq.s32 s10, $0x1;
	s10 =	sld [smem:$0x3FB4]  }
0x3d: {  	_ =	shalt  }
0x3e: {  	_ =	shalt  }
0x3f: {  	_ =	shalt  }
0x40: {  	_ =	shalt  }
0x41: {  	_ =	shalt  }
0x42: {  	_ =	shalt  }
0x43: {  	_ =	shalt  }
0x44: {  	_ =	shalt  }
0x45: {  	_ =	shalt  }
0x46: {  	_ =	shalt  }
0x47: {  	_ =	shalt  }
0x48: {  	_ =	shalt  }
0x49: {  	_ =	shalt  }
0x4a: {  	_ =	shalt  }
0x4b: {  	_ =	shalt  }
0x4c: {  	_ =	shalt  }
0x4d: {  	_ =	shalt  }
0x4e: {  	_ =	shalt  }
0x4f: {  	_ =	shalt  }
0x50: {  	_ =	shalt  }
0x51: {  	_ =	shalt  }
0x52: {  	_ =	shalt  }
0x53: {  	_ =	shalt  }
0x54: {  	_ =	shalt  }
0x55: {  	_ =	shalt  }
0x56: {  	_ =	shalt  }
0x57: {  	_ =	shalt  }
0x58: {  	_ =	shalt  }
0x59: {  	_ =	shalt  }
0x5a: {  	_ =	shalt  }
0x5b: {  	_ =	shalt  }
0x5c: {  	_ =	shalt  }
0x5d: {  	_ =	shalt  }
0x5e: {  	_ =	shalt  }
0x5f: {  	_ =	shalt  }
0x60: {  	_ =	shalt  }
0x61: {  	_ =	shalt  }
0x62: {  	_ =	shalt  }
0x63: {  	_ =	shalt  }
0x64: {  	_ =	shalt  }
0x65: {  	_ =	shalt  }
0x66: {  	_ =	shalt  }
0x67: {  	_ =	shalt  }
0x68: {  	_ =	shalt  }
0x69: {  	_ =	shalt  }
0x6a: {  	_ =	shalt  }
0x6b: {  	_ =	shalt  }
0x6c: {  	_ =	shalt  }
0x6d: {  	_ =	shalt  }
0x6e: {  	_ =	shalt  }
0x6f: {  	_ =	shalt  }
0x70: {  	_ =	shalt  }
0x71: {  	_ =	shalt  }
0x72: {  	_ =	shalt  }
0x73: {  	_ =	shalt  }
0x74: {  	_ =	shalt  }
0x75: {  	_ =	shalt  }
0x76: {  	_ =	shalt  }
0x77: {  	_ =	shalt  }
0x78: {  	_ =	shalt  }
0x79: {  	_ =	shalt  }
0x7a: {  	_ =	shalt  }
0x7b: {  	_ =	shalt  }
0x7c: {  	_ =	shalt  }
0x7d: {  	_ =	shalt  }
0x7e: {  	_ =	shalt  }
0x7f: {  	_ =	shalt  }
0x80: {  	_ =	shalt  }
0x81: {  	_ =	shalt  }
0x82: {  	_ =	shalt  }
0x83: {  	_ =	shalt  }
0x84: {  	_ =	shalt  }
0x85: {  	_ =	shalt  }
0x86: {  	_ =	shalt  }
0x87: {  	_ =	shalt  }
.Lfunc_end0:
.L_simem_size_0:
called_computation_lowered:
.L_overlay_start_0:
0x88: {  	s0 =	sld [smem:$0x3FD9]  }
0x89: {  	s1 =	sld [smem:$0x3FFE];
	_ =	sdelay $0x3  }
0x8a: {  	s0 =	sadd.s32 s1, s0  }
0x8b: {  	[smem:$0x3FC0] =	sst s0  }
0x8c: {  	_ = 	snop  }
0x8d: {  	s0 =	sld [smem:$0x3FD0];
	(tm) =	ssettm $0x1  }
0x8e: {  	s16 =	sld [smem:$0x3FFB];
	_ =	sdelay $0x3  }
0x8f: {  	_ =	strace s16  }
0x90: {  	s1 =	sld [smem:$0x3FFC];
	_ =	sdelay $0x3  }
0x91: {  	_ =	strace s1  }
0x92: {  	s1 =	sld [smem:$0x3FFD];
	_ =	sdelay $0x3  }
0x93: {  	_ =	strace s1  }
0x94: {  	_ =	strace $0x8FFFFFFF  }
0x95: {  	s17 =	sld [smem:$0x3FDB];
	_ =	sdelay $0x1  }
0x96: {  	s2 =	simm.s32 $_scs_section_size  }
0x97: {  	s3 =	simm.s32 $_size__tile_overlayer_lowered;
	s4 =	simm.s32 $_tile_overlayer_lowered  }
0x98: {  	s20 =	simm.s32 $0x1BFF;
	s19 =	sshll.u32 s4, $0x1;
	s1 =	sadd.s32 s2, s17  }
0x99: {  	s5 =	simm.s32 $0x0;
	s18 =	sshll.u32 s3, $0x1;
	s3 =	sadd.s32 s19, s1  }
0x9a: {  	[timem:s5], [sflag:s20] =	dma.local [hbm:s3], s18  }
0x9b: {  	_ =	swait.ge [sflag:s20], s18  }
0x9c: {  	s2 =	ssub.s32 $0x0, s18;
	[sflag:s20] =	ssyncset.done $0x0  }
0x9d: {  	[sflag:s20] =	ssyncadd.s32 s2;
	_ =	sdelay $0x1  }
0x9e: {  	s21 =	simm.s32 $0x1B8B  }
0x9f: {  	_ =	swait.ge [sflag:s21], $0x1  }
0xa0: {  	[sflag:s21] =	ssyncset.done $0x0  }
0xa1: {  	s23 =	simm.s32 $0x1B8E;
	s22 =	sld [smem:$0x3FFE];
	[sflag:s21] =	ssyncadd.s32 $0xFFFFFFFF  }
0xa2: {  	s24 =	simm.s32 $execute0_lowered;
	[smem:$0x3FD2] =	sst s23  }
0xa3: {  	s3 =	sshll.u32 s24, $0x1;
	_ =	strace $0x80000046;
	[dreg:$0x1] =	wrdreg $0xFFFFFFFF  }
0xa4: {  	s25 =	simm.s32 $_size_execute0_lowered;
	s1 =	sadd.s32 s1, s3;
	[dreg:$0x0] =	wrdreg $0x0  }
0xa5: {  	s3 =	sshll.u32 s25, $0x1;
	[dreg:$0x2] =	wrdreg s1  }
0xa6: {  	[dreg:$0x3] =	wrdreg s3  }
0xa7: {  	[dreg:$0x4] =	wrdreg $0xC0  }
0xa8: {  	_ =	task [dreg:s5], $0x5FFFF  }
0xa9: {  	[dreg:$0x1] =	wrdreg $0xFFFFFFFF  }
0xaa: {  	[dreg:$0x0] =	wrdreg $0x60  }
0xab: {  	[dreg:$0x2] =	wrdreg s22  }
0xac: {  	[dreg:$0x3] =	wrdreg s0  }
0xad: {  	[dreg:$0x4] =	wrdreg $0x1B800  }
0xae: {  	[dreg:$0x5] =	wrdreg $0x9  }
0xaf: {  	_ =	task.clear_ibuf [dreg:s5], $0x6FFFF;
	_ =	strace $0x90000046  }
0xb0: {  	s26 =	simm.s32 $0x9;
	_ =	strace $0x80000048  }
0xb1: {  	_ =	swait.ge [sflag:s26], $0x1  }
0xb2: {  	[sflag:s26] =	ssyncadd.s32 $0xFFFFFFFF  }
0xb3: {  	_ =	strace $0x90000048  }
0xb4: {  	_ =	sfence  }
0xb5: {  	s28 =	sld [smem:$0x0];
	_ =	sdelay $0x1  }
0xb6: {  	s29 =	srdreg.scid  }
0xb7: {  	s30 =	sshll.u32 s29, $0xD;
	s31 =	sshrl.u32 s29, $0x2  }
0xb8: {  	s2 =	sand.u32 $0x4000, s30;
	s1 =	sand.u32 $0x1, s29;
	s0 =	sadd.s32 s31, s28  }
0xb9: {  	s1 =	sor.u32 s2, s1;
	s0 =	sshll.u32 s0, $0x11  }
0xba: {  	s0 =	sor.u32 s0, s1  }
0xbb: {  	s0 =	sadd.s32 $0x8F2B, s0  }
0xbc: {  	[sflag:s0] =	ssyncadd.remote.s32 $0x1  }
0xbd: {  	_ =	sfence.sel $0xFFFF  }
0xbe: {  	[dreg:$0x0] =	wrdreg $0xFFFFFFFF;
	(pc) =	sbr.abs _section_cstart, $3  }
0xbf: {  	[dreg:$0x1] =	wrdreg $0xFFFFFFFF  }
0xc0: {  	_ =	task.clear_ibuf [dreg:s5], $0x2FFFF;
	_ =	strace $0x9FFFFFFF  }
0xc1: {  	(tm) =	ssettm $0x7FFFFFFF  }
tec
execute0_lowered:
.L_overlay_start_1:
0x0: {  	(tag) =	ssettag $0x1  }
0x1: {  	s6 =	stileid.u32  }
0x2: {  	s0 =	smul.u32 $0x24, s6  }
0x3: {  	s3 =	rddreg [dreg:$0x0];
	s2 =	smax.u32 s6, $0xC  }
0x4: {  	s1 =	rddreg [dreg:$0x1];
	s5 =	simm.s32 $0x0;
	s0 =	ssub.s32 s0, s2  }
0x5: {  	[smem:$0x7FF] =	sst s5;
	s4 =	sadd.s32 $0xC, s0  }
0x6: {  	s8 =	sadd.s32 $0x1400, s3;
	s9 =	sadd.s32 $0xE00, s3;
	s7 =	sshll.u32 s4, $0x1  }
0x7: {  	p0 =	sgt.u32 s6, $0xB;
	s2 =	rddreg [dreg:$0x2];
	s7 =	sand.u32 $0x1FFFFFFE, s7  }
0x8: {  	s0 =	rddreg [dreg:$0x3];
	_ =	strace $0x80000047;
	s10 =	sadd.s32 s8, s7  }
0x9: {  	[tilespmem:s5], [sflag:$0x1] =	stream.linear.gather [hbm4b:s10+s5], $0x230, $0x38;
	[tilespmem:$0x1C28] =	vst v63  }
0xa: {  	s4 =	sshll.u32 @!p0 s4, $0x4;
	s26 =	sadd.s32 s9, s7;
	s7 =	simm.s32 $0x280  }
0xb: {  	[tilespmem:s7], [sflag:$0x1] =	stream.linear.gather [hbm4b:s26+s5], $0x230, $0x38;
	[tilespmem:$0x1C28] =	vst v63  }
0xc: {  	s11 =	simm.s32 $0x500;
	s28 =	sadd.s32 $0x1A00, s3;
	s4 =	sadd.s32 @!p0 $0x230, s4  }
0xd: {  	[tilespmem:s11], [sflag:$0x1] =	stream.linear.gather [hbm4b:s28+s5], $0x280, $0x38;
	[tilespmem:$0x1C28] =	vst v63  }
0xe: {  	s30 =	simm.s32 $0xA00;
	s29 =	sadd.s32 $0x1E00, s3;
	s4 =	sshrl.u32 @!p0 s4, $0x3  }
0xf: {  	[tilespmem:s30], [sflag:$0x1] =	stream.linear.gather [hbm4b:s29+s5], $0x80, $0x38;
	[tilespmem:$0x1C28] =	vst v63  }
0x10: {  	s8 =	sadd.s32 @!p0 s8, s4;
	s10 =	simm.s32 @!p0 $0x0;
	s11 =	simm.s32 @!p0 $0x230  }
0x11: {  	[tilespmem:s11], [sflag:$0x1] =	stream.linear.gather @!p0 [hbm4b:s8+s10], $0x10, $0x38;
	[tilespmem:$0x1C28] =	vst v63  }
0x12: {  	s8 =	simm.s32 @!p0 $0x1  }
0x13: {  	_ =	swait.ge @!p0 [sflag:s8], $0x10  }
0x14: {  	[sflag:s8] =	ssyncset.done @!p0 $0x0  }
0x15: {  	s4 =	sadd.s32 @!p0 s9, s4;
	s9 =	simm.s32 @!p0 $0x4B0;
	[sflag:s8] =	ssyncadd.s32 @!p0 $0xFFFFFFF0  }
0x16: {  	[tilespmem:s9], [sflag:$0x1] =	stream.linear.gather @!p0 [hbm4b:s4+s10], $0x10, $0x38;
	[tilespmem:$0x1C28] =	vst v63  }
0x17: {  	p1 =	sne.s32 @!p0 s6, $0x0;
	_ =	swait.ge @!p0 [sflag:s8], $0x10  }
0x18: {  	s3 =	sadd.s32 $0x1C00, s3;
	p1 =	por p1, p0;
	[sflag:s8] =	ssyncset.done @!p0 $0x0  }
0x19: {  	s4 =	simm.s32 @!p1 $0x0;
	[sflag:s8] =	ssyncadd.s32 @!p0 $0xFFFFFFF0;
	s8 =	simm.s32 @!p1 $0x780  }
0x1a: {  	[tilespmem:s8], [sflag:$0x1] =	stream.linear.gather @!p1 [hbm4b:s3+s4], $0x280, $0x38;
	[tilespmem:$0x1C28] =	vst v63  }
0x1b: {  	s3 =	simm.s32 @!p1 $0x1  }
0x1c: {  	_ =	swait.ge @!p1 [sflag:s3], $0x280  }
0x1d: {  	[sflag:s3] =	ssyncset.done @!p1 $0x0  }
0x1e: {  	s31 =	simm.s32 $0x1;
	[sflag:s3] =	ssyncadd.s32 @!p1 $0xFFFFFD80  }
0x1f: {  	_ =	swait.ge [sflag:s31], $0x230  }
0x20: {  	[sflag:s31] =	ssyncset.done $0x0  }
0x21: {  	[sflag:s31] =	ssyncadd.s32 $0xFFFFFDD0  }
0x22: {  	_ =	swait.ge [sflag:s31], $0x230  }
0x23: {  	[sflag:s31] =	ssyncset.done $0x0  }
0x24: {  	[sflag:s31] =	ssyncadd.s32 $0xFFFFFDD0  }
0x25: {  	_ =	swait.ge [sflag:s31], $0x280  }
0x26: {  	[sflag:s31] =	ssyncset.done $0x0  }
0x27: {  	[sflag:s31] =	ssyncadd.s32 $0xFFFFFD80  }
0x28: {  	_ =	swait.ge [sflag:s31], $0x80  }
0x29: {  	[sflag:s31] =	ssyncset.done $0x0  }
0x2a: {  	v0 =	vimm.f32 $0.0e+00;
	[sflag:s31] =	ssyncadd.s32 $0xFFFFFF80  }
0x2b: {  	[tilespmem:$0x1380] =	vst v0  }
0x2c: {  	[tilespmem:$0x1390] =	vst v0  }
0x2d: {  	[tilespmem:$0x1400] =	vst v0  }
0x2e: {  	[tilespmem:$0x1410] =	vst v0  }
0x2f: {  	[tilespmem:$0x1480] =	vst v0  }
0x30: {  	[tilespmem:$0x1490] =	vst v0  }
0x31: {  	[tilespmem:$0x1500] =	vst v0  }
0x32: {  	[tilespmem:$0x1510] =	vst v0  }
0x33: {  	[tilespmem:$0x1580] =	vst v0  }
0x34: {  	[tilespmem:$0x1590] =	vst v0  }
0x35: {  	[tilespmem:$0x1600] =	vst v0  }
0x36: {  	[tilespmem:$0x1610] =	vst v0  }
0x37: {  	[tilespmem:$0x1680] =	vst v0  }
0x38: {  	[tilespmem:$0x1690] =	vst v0  }
0x39: {  	[tilespmem:$0x1700] =	vst v0  }
0x3a: {  	[tilespmem:$0x1710] =	vst v0  }
0x3b: {  	[tilespmem:$0x1780] =	vst v0  }
0x3c: {  	[tilespmem:$0x1790] =	vst v0  }
0x3d: {  	[tilespmem:$0x1800] =	vst v0  }
0x3e: {  	[tilespmem:$0x1810] =	vst v0  }
0x3f: {  	[tilespmem:$0x1880] =	vst v0  }
0x40: {  	[tilespmem:$0x1890] =	vst v0  }
0x41: {  	[tilespmem:$0x1900] =	vst v0  }
0x42: {  	[tilespmem:$0x1910] =	vst v0  }
0x43: {  	[tilespmem:$0x1980] =	vst v0  }
0x44: {  	[tilespmem:$0x1990] =	vst v0  }
0x45: {  	[tilespmem:$0x1A00] =	vst v0  }
0x46: {  	[tilespmem:$0x1A10] =	vst v0  }
0x47: {  	[tilespmem:$0x1A80] =	vst v0  }
0x48: {  	[tilespmem:$0x1A90] =	vst v0  }
0x49: {  	[tilespmem:$0x1B00] =	vst v0  }
0x4a: {  	[tilespmem:$0x1B10] =	vst v0  }
0x4b: {  	[tilespmem:$0x1398] =	vst v0  }
0x4c: {  	[tilespmem:$0x1418] =	vst v0  }
0x4d: {  	[tilespmem:$0x1498] =	vst v0  }
0x4e: {  	[tilespmem:$0x1518] =	vst v0  }
0x4f: {  	[tilespmem:$0x1598] =	vst v0  }
0x50: {  	[tilespmem:$0x1618] =	vst v0  }
0x51: {  	[tilespmem:$0x1698] =	vst v0  }
0x52: {  	[tilespmem:$0x1718] =	vst v0  }
0x53: {  	[tilespmem:$0x1798] =	vst v0  }
0x54: {  	[tilespmem:$0x1818] =	vst v0  }
0x55: {  	p0 =	slt.u32 s6, $0xC;
	s3 =	simm.s32 $0x24;
	[tilespmem:$0x1898] =	vst v0  }
0x56: {  	s3 =	simm.s32 @!p0 $0x23;
	[tilespmem:$0x1918] =	vst v0  }
0x57: {  	p1 =	sne.s32 s3, $0x1;
	[tilespmem:$0x1998] =	vst v0  }
.Ltmp0:
0x58: {  	[tilespmem:$0x1A18] =	vst v0;
	(pc) =	sbr.rel @!p1 .LBB2_2-.Ltmp0, $4  }
0x59: {  	[tilespmem:$0x1A98] =	vst v0  }
0x5a: {  	[tilespmem:$0x1B18] =	vst v0  }
0x5b: {  	v2 =	vld [tilespmem:s5+$0x0]  }
0x5c: {  	s9 =	simm.s32 $0x0;
	s4 =	simm.s32 $0x1380;
	s8 =	sadd.s32 $0xFFFFFFFF, s3;
	v0 =	vimm.f32 $1.000000000e+00;
	v1 =	vld [tilespmem:s7+$0x0]  }
.LBB2_1:
0x5d: {  	p0 =	sne.s32 s8, $0x1;
	_ =	sdelay $0x2  }
0x5e: {  	v3 =	vshra.s32 v2, $0x4;
	v2 =	vshll.u32 v2, $0x7  }
0x5f: {  	v4 =	vand.u32 $0xFFFFFF80, v3;
	v3 =	vand.u32 $0x7F, v3;
	v5 =	vshra.s32 v1, $0x4  }
0x60: {  	v2 =	vand.u32 $0x780, v2;
	v1 =	vshll.u32 v1, $0x7;
	v5 =	vadd.s32 $0x14, v5  }
0x61: {  	v2 =	vadd.s32 v4, v2;
	v1 =	vand.u32 $0x780, v1;
	v4 =	vand.u32 $0xFFFFFF80, v5  }
0x62: {  	v2 =	vor.u32 v3, v2;
	v3 =	vand.u32 $0x7F, v5;
	v1 =	vadd.s32 v1, v4  }
0x63: {  	v1 =	vor.u32 v3, v1;
	_ =	sdelay $0x2  }
.Ltmp1:
0x64: {  	(pc) =	sbr.rel @p0 .LBB2_1-.Ltmp1, $4  }
0x65: {  	[tilespmem:v2+s4+$0x0] =	vst.idx.add.f32.msk $0xffff, v0  }
0x66: {  	s9 =	sadd.s32 $0x10, s9;
	[tilespmem:v1+s4+$0x0] =	vst.idx.add.f32.msk $0xffff, v0  }
0x67: {  	s7 =	sadd.s32 $0x10, s7;
	v2 =	vld [tilespmem:s9+$0x0]  }
0x68: {  	s8 =	sadd.s32 $0xFFFFFFFF, s8;
	v1 =	vld [tilespmem:s7+$0x0]  }
.LBB2_2:
0x69: {  	_ =	sdelay $0x2  }
0x6a: {  	v3 =	vshra.s32 v2, $0x4;
	v2 =	vshll.u32 v2, $0x7  }
0x6b: {  	v4 =	vand.u32 $0xFFFFFF80, v3;
	v3 =	vand.u32 $0x7F, v3;
	v5 =	vshra.s32 v1, $0x4  }
0x6c: {  	v2 =	vand.u32 $0x780, v2;
	v1 =	vshll.u32 v1, $0x7;
	v5 =	vadd.s32 $0x14, v5  }
0x6d: {  	v2 =	vadd.s32 v4, v2;
	v1 =	vand.u32 $0x780, v1;
	v4 =	vand.u32 $0xFFFFFF80, v5  }
0x6e: {  	v2 =	vor.u32 v3, v2;
	v3 =	vand.u32 $0x7F, v5;
	v1 =	vadd.s32 v1, v4  }
0x6f: {  	v1 =	vor.u32 v3, v1;
	_ =	sdelay $0x1  }
0x70: {  	p0 =	sne.s32 s6, $0x0  }
0x71: {  	v3 =	vlaneseq.u32 @p0  }
0x72: {  	[tilespmem:v2+s4+$0x0] =	vst.idx.add.f32.msk $0xffff, v0  }
0x73: {  	[tilespmem:v1+s4+$0x0] =	vst.idx.add.f32.msk $0xffff, v0  }
0x74: {  	[bflag:$0x0] =	sbarrier.arrive $0xFFFF  }
0x75: {  	vm0 =	vmmov @p0 $0xffff;
	s6 =	simm.s32 @p0 $0x1380;
	[bflag:$0x0] =	sbarrier.arrive @p0 $0xFFFF  }
0x76: {  	[spmem:s2] =	stream.indirect_vreg.scatter.add.f32 @p0 [tilespmem:s6], [sflag:$0x2], $0x28, v3, vm0, $0xb8;
	[tilespmem:$0x1C28] =	vst v63  }
0x77: {  	s6 =	simm.s32 @p0 $0x2  }
0x78: {  	_ =	swait.ge @p0 [sflag:s6], $0x280  }
0x79: {  	[sflag:s6] =	ssyncset.done @p0 $0x0  }
0x7a: {  	[sflag:s6] =	ssyncadd.s32 @p0 $0xFFFFFD80;
	s6 =	simm.s32 @!p0 $0x1380  }
0x7b: {  	[spmem:s2] =	stream.linear.scatter @!p0 [tilespmem:s6], [sflag:$0x2], $0x800, $0x38;
	[tilespmem:$0x1C28] =	vst v63  }
0x7c: {  	s6 =	simm.s32 @!p0 $0x2  }
0x7d: {  	_ =	swait.ge @!p0 [sflag:s6], $0x800  }
0x7e: {  	v0 =	vlaneseq.u32;
	[sflag:s6] =	ssyncset.done @!p0 $0x0  }
0x7f: {  	v0 =	vmul.u32 $0x80, v0;
	[sflag:s6] =	ssyncadd.s32 @!p0 $0xFFFFF800  }
0x80: {  	[bflag:$0x0] =	sbarrier.arrive @!p0 $0xFFFF  }
0x81: {  	s30 =	simm.s32 $0x2;
	v1 =	vor.u32 $0x14, v0;
	v2 =	vor.u32 s5, v0;
	[bflag:$0x0] =	sbarrier.arrive $0xFFFF  }
0x82: {  	v3 =	vadd.s32 s5, v1;
	[tilespmem:s4], [sflag:$0x2] =	stream.linear.gather [spmem:s2], $0x800, $0x38;
	[tilespmem:$0x1C28] =	vst v63  }
0x83: {  	_ =	swait.ge [sflag:s30], $0x800  }
0x84: {  	[sflag:s30] =	ssyncset.done $0x0  }
0x85: {  	[sflag:s30] =	ssyncadd.s32 $0xFFFFF800  }
0x86: {  	v2 =	vld.idx.msk [tilespmem:v2+s4+$0x0], $0xffff  }
0x87: {  	v3 =	vld.idx.msk [tilespmem:v3+s4+$0x0], $0xffff;
	_ =	sdelay $0x3  }
0x88: {  	v2 =	vmax.f32 v2, $1.000000000e+00  }
0x89: {  	v3 =	vmax.f32 v3, $1.000000000e+00;
	v4 =	vshra.s32 v2, $0x1;
	v2 =	vmul.f32 $5.000000000e-01, v2  }
0x8a: {  	v5 =	vshra.s32 v3, $0x1;
	v3 =	vmul.f32 $5.000000000e-01, v3;
	v4 =	vsub.s32 $0x5F3759DF, v4  }
0x8b: {  	v5 =	vsub.s32 $0x5F3759DF, v5;
	v6 =	vmul.f32 v4, v2  }
0x8c: {  	v7 =	vmul.f32 v5, v3  }
0x8d: {  	v6 =	vmul.f32 v4, v6  }
0x8e: {  	v7 =	vmul.f32 v5, v7  }
0x8f: {  	v6 =	vsub.f32 $1.500000000e+00, v6  }
0x90: {  	v7 =	vsub.f32 $1.500000000e+00, v7  }
0x91: {  	v4 =	vmul.f32 v4, v6  }
0x92: {  	v5 =	vmul.f32 v5, v7  }
0x93: {  	v6 =	vmul.f32 v4, v2  }
0x94: {  	v7 =	vmul.f32 v5, v3  }
0x95: {  	v6 =	vmul.f32 v6, v4  }
0x96: {  	v7 =	vmul.f32 v7, v5  }
0x97: {  	v6 =	vsub.f32 $1.500000000e+00, v6  }
0x98: {  	v7 =	vsub.f32 $1.500000000e+00, v7  }
0x99: {  	v4 =	vmul.f32 v6, v4  }
0x9a: {  	v5 =	vmul.f32 v7, v5  }
0x9b: {  	v2 =	vmul.f32 v4, v2  }
0x9c: {  	v3 =	vmul.f32 v5, v3  }
0x9d: {  	v2 =	vmul.f32 v2, v4  }
0x9e: {  	v3 =	vmul.f32 v3, v5  }
0x9f: {  	s31 =	simm.s32 $0x1;
	v2 =	vsub.f32 $1.500000000e+00, v2  }
0xa0: {  	v6 =	vor.u32 s31, v0;
	v3 =	vsub.f32 $1.500000000e+00, v3  }
0xa1: {  	v2 =	vmul.f32 v2, v4;
	v4 =	vadd.s32 s31, v1  }
0xa2: {  	s5 =	simm.s32 $0x1080;
	v3 =	vmul.f32 v3, v5  }
0xa3: {  	s6 =	simm.s32 $0x1200;
	[tilespmem:s5+$0x0] =	vst v2  }
0xa4: {  	[tilespmem:s6+$0x0] =	vst v3  }
0xa5: {  	v2 =	vld.idx.msk [tilespmem:v6+s4+$0x0], $0xffff  }
0xa6: {  	v3 =	vld.idx.msk [tilespmem:v4+s4+$0x0], $0xffff;
	_ =	sdelay $0x3  }
0xa7: {  	v2 =	vmax.f32 v2, $1.000000000e+00  }
0xa8: {  	v4 =	vshra.s32 v2, $0x1;
	v5 =	vmul.f32 $5.000000000e-01, v2;
	v2 =	vmax.f32 v3, $1.000000000e+00  }
0xa9: {  	v3 =	vsub.s32 $0x5F3759DF, v4;
	v4 =	vshra.s32 v2, $0x1;
	v6 =	vmul.f32 $5.000000000e-01, v2  }
0xaa: {  	v2 =	vmul.f32 v3, v5;
	v4 =	vsub.s32 $0x5F3759DF, v4  }
0xab: {  	v7 =	vmul.f32 v4, v6  }
0xac: {  	v2 =	vmul.f32 v3, v2  }
0xad: {  	v7 =	vmul.f32 v4, v7  }
0xae: {  	v2 =	vsub.f32 $1.500000000e+00, v2  }
0xaf: {  	v7 =	vsub.f32 $1.500000000e+00, v7  }
0xb0: {  	v2 =	vmul.f32 v3, v2  }
0xb1: {  	v3 =	vmul.f32 v4, v7  }
0xb2: {  	v4 =	vmul.f32 v2, v5  }
0xb3: {  	v7 =	vmul.f32 v3, v6  }
0xb4: {  	v4 =	vmul.f32 v4, v2  }
0xb5: {  	v7 =	vmul.f32 v7, v3  }
0xb6: {  	v4 =	vsub.f32 $1.500000000e+00, v4  }
0xb7: {  	v7 =	vsub.f32 $1.500000000e+00, v7  }
0xb8: {  	v8 =	vmul.f32 v4, v2  }
0xb9: {  	v2 =	vmul.f32 v7, v3  }
0xba: {  	v3 =	vmul.f32 v8, v5  }
0xbb: {  	v4 =	vmul.f32 v2, v6  }
0xbc: {  	v3 =	vmul.f32 v3, v8  }
0xbd: {  	v4 =	vmul.f32 v4, v2  }
0xbe: {  	s7 =	simm.s32 $0x2;
	v6 =	vsub.f32 $1.500000000e+00, v3  }
0xbf: {  	v3 =	vor.u32 s7, v0;
	v5 =	vsub.f32 $1.500000000e+00, v4  }
0xc0: {  	v4 =	vadd.s32 s7, v1;
	s7 =	simm.s32 $0x3;
	v6 =	vmul.f32 v6, v8  }
.LBB2_3:
0xc1: {  	p2 =	sne.s32 s7, $0x11;
	v2 =	vmul.f32 v5, v2;
	s5 =	sadd.s32 $0x10, s5  }
0xc2: {  	s6 =	sadd.s32 $0x10, s6;
	[tilespmem:s5+$0x0] =	vst v6  }
0xc3: {  	[tilespmem:s6+$0x0] =	vst v2  }
0xc4: {  	v2 =	vld.idx.msk [tilespmem:v3+s4+$0x0], $0xffff  }
0xc5: {  	v3 =	vld.idx.msk [tilespmem:v4+s4+$0x0], $0xffff;
	_ =	sdelay $0x4  }
0xc6: {  	v2 =	vmax.f32 v2, $1.000000000e+00  }
0xc7: {  	v4 =	vshra.s32 v2, $0x1;
	v5 =	vmul.f32 $5.000000000e-01, v2;
	v2 =	vmax.f32 v3, $1.000000000e+00  }
0xc8: {  	v3 =	vsub.s32 $0x5F3759DF, v4;
	v4 =	vshra.s32 v2, $0x1;
	v6 =	vmul.f32 $5.000000000e-01, v2  }
0xc9: {  	v2 =	vmul.f32 v3, v5;
	v4 =	vsub.s32 $0x5F3759DF, v4  }
0xca: {  	v7 =	vmul.f32 v4, v6  }
0xcb: {  	v2 =	vmul.f32 v3, v2  }
0xcc: {  	v7 =	vmul.f32 v4, v7  }
0xcd: {  	v2 =	vsub.f32 $1.500000000e+00, v2  }
0xce: {  	v7 =	vsub.f32 $1.500000000e+00, v7  }
0xcf: {  	v2 =	vmul.f32 v3, v2  }
0xd0: {  	v3 =	vmul.f32 v4, v7  }
0xd1: {  	v4 =	vmul.f32 v2, v5  }
0xd2: {  	v7 =	vmul.f32 v3, v6  }
0xd3: {  	v4 =	vmul.f32 v4, v2  }
0xd4: {  	v7 =	vmul.f32 v7, v3  }
0xd5: {  	v4 =	vsub.f32 $1.500000000e+00, v4  }
0xd6: {  	v7 =	vsub.f32 $1.500000000e+00, v7  }
0xd7: {  	v8 =	vmul.f32 v4, v2  }
0xd8: {  	v2 =	vmul.f32 v7, v3  }
0xd9: {  	v3 =	vmul.f32 v8, v5  }
0xda: {  	v4 =	vmul.f32 v2, v6  }
.Ltmp2:
0xdb: {  	v3 =	vmul.f32 v3, v8;
	(pc) =	sbr.rel @p2 .LBB2_3-.Ltmp2, $4  }
0xdc: {  	v4 =	vmul.f32 v4, v2  }
0xdd: {  	v6 =	vsub.f32 $1.500000000e+00, v3  }
0xde: {  	v3 =	vor.u32 s7, v0;
	v5 =	vsub.f32 $1.500000000e+00, v4  }
0xdf: {  	v4 =	vadd.s32 s7, v1;
	s7 =	sadd.s32 $0x1, s7;
	v6 =	vmul.f32 v6, v8  }
0xe0: {  	_ = 	snop  }
0xe1: {  	v0 =	vmul.f32 v5, v2;
	s5 =	sadd.s32 $0x10, s5  }
0xe2: {  	s6 =	sadd.s32 $0x10, s6;
	[tilespmem:s5+$0x0] =	vst v6  }
0xe3: {  	[tilespmem:s6+$0x0] =	vst v0  }
0xe4: {  	v0 =	vld.idx.msk [tilespmem:v3+s4+$0x0], $0xffff  }
0xe5: {  	v1 =	vld.idx.msk [tilespmem:v4+s4+$0x0], $0xffff;
	_ =	sdelay $0x3  }
0xe6: {  	v0 =	vmax.f32 v0, $1.000000000e+00  }
0xe7: {  	v1 =	vmax.f32 v1, $1.000000000e+00;
	v2 =	vshra.s32 v0, $0x1;
	v0 =	vmul.f32 $5.000000000e-01, v0  }
0xe8: {  	v3 =	vshra.s32 v1, $0x1;
	v1 =	vmul.f32 $5.000000000e-01, v1;
	v2 =	vsub.s32 $0x5F3759DF, v2  }
0xe9: {  	v3 =	vsub.s32 $0x5F3759DF, v3;
	v4 =	vmul.f32 v2, v0  }
0xea: {  	v5 =	vmul.f32 v3, v1  }
0xeb: {  	v4 =	vmul.f32 v2, v4  }
0xec: {  	v5 =	vmul.f32 v3, v5  }
0xed: {  	v4 =	vsub.f32 $1.500000000e+00, v4  }
0xee: {  	v5 =	vsub.f32 $1.500000000e+00, v5  }
0xef: {  	v2 =	vmul.f32 v2, v4  }
0xf0: {  	v3 =	vmul.f32 v3, v5  }
0xf1: {  	v4 =	vmul.f32 v2, v0  }
0xf2: {  	v5 =	vmul.f32 v3, v1  }
0xf3: {  	v4 =	vmul.f32 v4, v2  }
0xf4: {  	v5 =	vmul.f32 v5, v3  }
0xf5: {  	v4 =	vsub.f32 $1.500000000e+00, v4  }
0xf6: {  	v5 =	vsub.f32 $1.500000000e+00, v5  }
0xf7: {  	v2 =	vmul.f32 v4, v2  }
0xf8: {  	v4 =	vmul.f32 v5, v3  }
0xf9: {  	v0 =	vmul.f32 v2, v0  }
0xfa: {  	v1 =	vmul.f32 v4, v1  }
0xfb: {  	v0 =	vmul.f32 v0, v2  }
0xfc: {  	s25 =	simm.s32 $0x0;
	v3 =	vlaneseq.u32;
	v1 =	vmul.f32 v1, v4  }
0xfd: {  	v5 =	vmov s25;
	v3 =	vmul.u32 $0x2, v3;
	v0 =	vsub.f32 $1.500000000e+00, v0  }
0xfe: {  	v5 =	vshll.u32 v5, $0x1;
	v1 =	vsub.f32 $1.500000000e+00, v1  }
0xff: {  	v5 =	vor.u32 v3, v5;
	v0 =	vmul.f32 v0, v2  }
0x100: {  	s26 =	sadd.s32 $0x10, s5;
	v1 =	vmul.f32 v1, v4  }
0x101: {  	s28 =	sadd.s32 $0x10, s6;
	v4 =	vor.u32 $0x1, v5;
	[tilespmem:s26+$0x0] =	vst v0  }
0x102: {  	s29 =	simm.s32 $0xA00;
	v7 =	vimm.s32 $0x3;
	[tilespmem:s28+$0x0] =	vst v1  }
0x103: {  	s4 =	simm.s32 $0x500;
	v1 =	vimm.s32 $0x2;
	v2 =	vld.msk [tilespmem:s29+$0x0], $0xffff  }
0x104: {  	s30 =	simm.s32 $0x1080;
	v0 =	vimm.s32 $0x1;
	v8 =	vld.idx.msk [tilespmem:v5+s4+$0x0], $0xffff  }
0x105: {  	v10 =	vld [tilespmem:s30+$0x0]  }
0x106: {  	v9 =	vld.idx.msk [tilespmem:v4+s4+$0x0], $0xffff  }
0x107: {  	v5 =	vld.idx.msk [tilespmem:v7+s29+$0x0], $0xffff  }
0x108: {  	v6 =	vld.idx.msk [tilespmem:v1+s29+$0x0], $0xffff  }
0x109: {  	v4 =	vld.idx.msk [tilespmem:v0+s29+$0x0], $0xffff;
	_ =	sdelay $0x1  }
0x10a: {  	s31 =	simm.s32 $0x10;
	v0 =	vimm.s32 $0x4;
	v7 =	vmul.f32 v8, v10;
	v8 =	vmul.f32 v9, v10  }
0x10b: {  	v1 =	vimm.s32 $0x5;
	v9 =	vmov s31  }
0x10c: {  	v9 =	vshll.u32 v9, $0x1;
	v10 =	vmul.f32 v7, v2;
	v11 =	vmul.f32 v8, v6  }
0x10d: {  	v9 =	vor.u32 v3, v9;
	v7 =	vmul.f32 v7, v4;
	v8 =	vmul.f32 v8, v5  }
0x10e: {  	v12 =	vor.u32 $0x1, v9;
	v10 =	vadd.f32 v11, v10  }
0x10f: {  	s5 =	simm.s32 $0xD80;
	v0 =	vld.idx.msk [tilespmem:v0+s29+$0x0], $0xffff;
	v7 =	vadd.f32 v8, v7  }
0x110: {  	s6 =	simm.s32 $0xF00;
	v1 =	vld.idx.msk [tilespmem:v1+s29+$0x0], $0xffff;
	[tilespmem:s5+$0x0] =	vst v10  }
0x111: {  	[tilespmem:s6+$0x0] =	vst v7  }
0x112: {  	v7 =	vld.idx.msk [tilespmem:v9+s4+$0x0], $0xffff  }
0x113: {  	s7 =	simm.s32 $0x1090;
	v8 =	vld.idx.msk [tilespmem:v12+s4+$0x0], $0xffff  }
0x114: {  	v9 =	vld [tilespmem:s7+$0x0];
	_ =	sdelay $0x4  }
0x115: {  	s8 =	simm.s32 $0x20;
	v7 =	vmul.f32 v7, v9;
	v8 =	vmul.f32 v8, v9  }
0x116: {  	v9 =	vmov s8  }
0x117: {  	s8 =	simm.s32 $0x30;
	v11 =	vshll.u32 v9, $0x1;
	v9 =	vmul.f32 v7, v2;
	v10 =	vmul.f32 v8, v6  }
.LBB2_5:
0x118: {  	p2 =	sne.s32 s8, $0x110;
	v11 =	vor.u32 v3, v11;
	v7 =	vmul.f32 v7, v4;
	v8 =	vmul.f32 v8, v5  }
0x119: {  	v12 =	vor.u32 $0x1, v11;
	v9 =	vadd.f32 v10, v9  }
0x11a: {  	s5 =	sadd.s32 $0x10, s5;
	v7 =	vadd.f32 v8, v7  }
0x11b: {  	s6 =	sadd.s32 $0x10, s6;
	[tilespmem:s5+$0x0] =	vst v9  }
0x11c: {  	[tilespmem:s6+$0x0] =	vst v7  }
0x11d: {  	v7 =	vld.idx.msk [tilespmem:v11+s4+$0x0], $0xffff  }
0x11e: {  	s7 =	sadd.s32 $0x10, s7;
	v8 =	vld.idx.msk [tilespmem:v12+s4+$0x0], $0xffff  }
0x11f: {  	v9 =	vld [tilespmem:s7+$0x0];
	_ =	sdelay $0x2  }
.Ltmp3:
0x120: {  	(pc) =	sbr.rel @p2 .LBB2_5-.Ltmp3, $4  }
0x121: {  	_ = 	snop  }
0x122: {  	v7 =	vmul.f32 v7, v9;
	v8 =	vmul.f32 v8, v9  }
0x123: {  	v9 =	vmov s8  }
0x124: {  	s8 =	sadd.s32 $0x10, s8;
	v11 =	vshll.u32 v9, $0x1;
	v9 =	vmul.f32 v7, v2;
	v10 =	vmul.f32 v8, v6  }
0x125: {  	v3 =	vor.u32 v3, v11;
	v7 =	vmul.f32 v7, v4;
	v8 =	vmul.f32 v8, v5  }
0x126: {  	v9 =	vadd.f32 v10, v9  }
0x127: {  	s5 =	sadd.s32 $0x10, s5;
	v11 =	vor.u32 $0x1, v3;
	v7 =	vadd.f32 v8, v7  }
0x128: {  	s6 =	sadd.s32 $0x10, s6;
	[tilespmem:s5+$0x0] =	vst v9  }
0x129: {  	[tilespmem:s6+$0x0] =	vst v7  }
0x12a: {  	s29 =	sadd.s32 $0x10, s7;
	v3 =	vld.idx.msk [tilespmem:v3+s4+$0x0], $0xffff  }
0x12b: {  	v60 =	vld [tilespmem:s29+$0x0]  }
0x12c: {  	v7 =	vld.idx.msk [tilespmem:v11+s4+$0x0], $0xffff;
	_ =	sdelay $0x4  }
0x12d: {  	v3 =	vmul.f32 v3, v60;
	v7 =	vmul.f32 v7, v60;
	_ =	sdelay $0x1  }
0x12e: {  	v2 =	vmul.f32 v3, v2;
	v6 =	vmul.f32 v7, v6  }
0x12f: {  	v3 =	vmul.f32 v3, v4;
	v4 =	vmul.f32 v7, v5  }
0x130: {  	v2 =	vadd.f32 v6, v2  }
0x131: {  	s30 =	sadd.s32 $0x10, s5;
	v3 =	vadd.f32 v4, v3  }
0x132: {  	s31 =	sadd.s32 $0x10, s6;
	[tilespmem:s30+$0x0] =	vst v2  }
0x133: {  	v2 =	vimm.f32 $0.0e+00;
	[tilespmem:s31+$0x0] =	vst v3  }
0x134: {  	[tilespmem:$0x1380] =	vst v2  }
0x135: {  	[tilespmem:$0x1390] =	vst v2  }
0x136: {  	[tilespmem:$0x1400] =	vst v2  }
0x137: {  	[tilespmem:$0x1410] =	vst v2  }
0x138: {  	[tilespmem:$0x1480] =	vst v2  }
0x139: {  	[tilespmem:$0x1490] =	vst v2  }
0x13a: {  	[tilespmem:$0x1500] =	vst v2  }
0x13b: {  	[tilespmem:$0x1510] =	vst v2  }
0x13c: {  	[tilespmem:$0x1580] =	vst v2  }
0x13d: {  	[tilespmem:$0x1590] =	vst v2  }
0x13e: {  	[tilespmem:$0x1600] =	vst v2  }
0x13f: {  	[tilespmem:$0x1610] =	vst v2  }
0x140: {  	[tilespmem:$0x1680] =	vst v2  }
0x141: {  	[tilespmem:$0x1690] =	vst v2  }
0x142: {  	[tilespmem:$0x1700] =	vst v2  }
0x143: {  	[tilespmem:$0x1710] =	vst v2  }
0x144: {  	[tilespmem:$0x1780] =	vst v2  }
0x145: {  	[tilespmem:$0x1790] =	vst v2  }
0x146: {  	[tilespmem:$0x1800] =	vst v2  }
0x147: {  	[tilespmem:$0x1810] =	vst v2  }
0x148: {  	[tilespmem:$0x1880] =	vst v2  }
0x149: {  	[tilespmem:$0x1890] =	vst v2  }
0x14a: {  	[tilespmem:$0x1900] =	vst v2  }
0x14b: {  	[tilespmem:$0x1910] =	vst v2  }
0x14c: {  	[tilespmem:$0x1980] =	vst v2  }
0x14d: {  	[tilespmem:$0x1990] =	vst v2  }
0x14e: {  	[tilespmem:$0x1A00] =	vst v2  }
0x14f: {  	[tilespmem:$0x1A10] =	vst v2  }
0x150: {  	[tilespmem:$0x1A80] =	vst v2  }
0x151: {  	[tilespmem:$0x1A90] =	vst v2  }
0x152: {  	[tilespmem:$0x1B00] =	vst v2  }
0x153: {  	[tilespmem:$0x1B10] =	vst v2  }
0x154: {  	[tilespmem:$0x1398] =	vst v2  }
0x155: {  	[tilespmem:$0x1418] =	vst v2  }
0x156: {  	[tilespmem:$0x1498] =	vst v2  }
0x157: {  	[tilespmem:$0x1518] =	vst v2  }
0x158: {  	[tilespmem:$0x1598] =	vst v2  }
0x159: {  	[tilespmem:$0x1618] =	vst v2  }
0x15a: {  	[tilespmem:$0x1698] =	vst v2  }
0x15b: {  	[tilespmem:$0x1718] =	vst v2  }
0x15c: {  	[tilespmem:$0x1798] =	vst v2  }
0x15d: {  	[tilespmem:$0x1818] =	vst v2  }
0x15e: {  	[tilespmem:$0x1898] =	vst v2  }
0x15f: {  	[tilespmem:$0x1918] =	vst v2  }
0x160: {  	[tilespmem:$0x1998] =	vst v2  }
0x161: {  	[tilespmem:$0x1A18] =	vst v2  }
0x162: {  	[tilespmem:$0x1A98] =	vst v2  }
0x163: {  	s6 =	simm.s32 $0x280;
	[tilespmem:$0x1B18] =	vst v2  }
0x164: {  	s5 =	simm.s32 $0x0;
	v3 =	vld [tilespmem:s6+$0x0]  }
0x165: {  	v2 =	vld [tilespmem:s5+$0x0];
	_ =	sdelay $0x3  }
0x166: {  	v4 =	vshra.s32 v3, $0x4  }
0x167: {  	v3 =	vshll.u32 v3, $0x7;
	v5 =	vand.u32 $0xFFFFFF80, v4  }
0x168: {  	v3 =	vand.u32 $0x780, v3;
	v61 =	vand.u32 $0x7F, v4;
	v4 =	vadd.s32 $0x14, v4  }
0x169: {  	s7 =	simm.s32 $0xD80;
	v5 =	vadd.s32 v5, v3;
	v63 =	vand.u32 $0xFFFFFF80, v4  }
0x16a: {  	s8 =	simm.s32 $0xF00;
	v4 =	vand.u32 $0x7F, v4;
	v62 =	vld.idx.msk [tilespmem:v2+s7+$0x0], $0xffff;
	v5 =	vor.u32 v61, v5;
	v3 =	vadd.s32 v3, v63  }
.Ltmp4:
0x16b: {  	v2 =	vld.idx.msk [tilespmem:v2+s8+$0x0], $0xffff;
	v3 =	vor.u32 v4, v3;
	(pc) =	sbr.rel @!p1 .LBB2_8-.Ltmp4, $3  }
0x16c: {  	_ =	sdelay $0x1  }
0x16d: {  	s4 =	simm.s32 $0x1380  }
0x16e: {  	s9 =	sadd.s32 $0xFFFFFFFF, s3;
	s10 =	simm.s32 $0x0;
	[tilespmem:v5+s4+$0x0] =	vst.idx.add.f32.msk $0xffff, v62  }
.LBB2_7:
0x16f: {  	p2 =	sne.s32 s9, $0x1;
	[tilespmem:v3+s4+$0x0] =	vst.idx.add.f32.msk $0xffff, v2;
	s10 =	sadd.s32 $0x10, s10;
	s6 =	sadd.s32 $0x10, s6  }
0x170: {  	s9 =	sadd.s32 $0xFFFFFFFF, s9;
	v2 =	vld [tilespmem:s10+$0x0]  }
0x171: {  	v3 =	vld [tilespmem:s6+$0x0];
	_ =	sdelay $0x4  }
0x172: {  	v4 =	vshra.s32 v3, $0x4;
	v3 =	vshll.u32 v3, $0x7  }
0x173: {  	v5 =	vand.u32 $0xFFFFFF80, v4;
	v3 =	vand.u32 $0x780, v3;
	v6 =	vadd.s32 $0x14, v4  }
0x174: {  	v4 =	vand.u32 $0x7F, v4;
	v7 =	vld.idx.msk [tilespmem:v2+s7+$0x0], $0xffff;
	v5 =	vadd.s32 v5, v3;
	v8 =	vand.u32 $0xFFFFFF80, v6  }
0x175: {  	v2 =	vld.idx.msk [tilespmem:v2+s8+$0x0], $0xffff;
	v4 =	vor.u32 v4, v5;
	v5 =	vand.u32 $0x7F, v6;
	v3 =	vadd.s32 v3, v8  }
.Ltmp5:
0x176: {  	v3 =	vor.u32 v5, v3;
	(pc) =	sbr.rel @p2 .LBB2_7-.Ltmp5, $2  }
0x177: {  	_ =	sdelay $0x2  }
0x178: {  	[tilespmem:v4+s4+$0x0] =	vst.idx.add.f32.msk $0xffff, v7  }
.LBB2_8:
0x179: {  	_ =	sdelay $0x1  }
0x17a: {  	v4 =	vlaneseq.u32 @p0;
	_ =	sdelay $0x1  }
0x17b: {  	[tilespmem:v3+s4+$0x0] =	vst.idx.add.f32.msk $0xffff, v2  }
0x17c: {  	[bflag:$0x0] =	sbarrier.arrive $0xFFFF  }
0x17d: {  	s6 =	simm.s32 @p0 $0x1380;
	[bflag:$0x0] =	sbarrier.arrive @p0 $0xFFFF  }
0x17e: {  	[spmem:s2] =	stream.indirect_vreg.scatter.add.f32 @p0 [tilespmem:s6], [sflag:$0x2], $0x28, v4, vm0, $0xb8;
	[tilespmem:$0x1C28] =	vst v63  }
0x17f: {  	s6 =	simm.s32 @p0 $0x2  }
0x180: {  	_ =	swait.ge @p0 [sflag:s6], $0x280  }
0x181: {  	[sflag:s6] =	ssyncset.done @p0 $0x0  }
0x182: {  	[sflag:s6] =	ssyncadd.s32 @p0 $0xFFFFFD80;
	s6 =	simm.s32 @!p0 $0x1380  }
0x183: {  	[spmem:s2] =	stream.linear.scatter @!p0 [tilespmem:s6], [sflag:$0x2], $0x800, $0x38;
	[tilespmem:$0x1C28] =	vst v63  }
0x184: {  	s6 =	simm.s32 @!p0 $0x2  }
0x185: {  	_ =	swait.ge @!p0 [sflag:s6], $0x800  }
0x186: {  	v2 =	vlaneseq.u32;
	[sflag:s6] =	ssyncset.done @!p0 $0x0  }
0x187: {  	v2 =	vmul.u32 $0x80, v2;
	[sflag:s6] =	ssyncadd.s32 @!p0 $0xFFFFF800  }
0x188: {  	[bflag:$0x0] =	sbarrier.arrive @!p0 $0xFFFF  }
0x189: {  	s28 =	simm.s32 $0x2;
	v4 =	vor.u32 s5, v2;
	[bflag:$0x0] =	sbarrier.arrive $0xFFFF  }
0x18a: {  	v3 =	vor.u32 $0x14, v2;
	[tilespmem:s4], [sflag:$0x2] =	stream.linear.gather [spmem:s2], $0x800, $0x38;
	[tilespmem:$0x1C28] =	vst v63  }
0x18b: {  	v5 =	vadd.s32 s5, v3;
	_ =	swait.ge [sflag:s28], $0x800  }
0x18c: {  	[sflag:s28] =	ssyncset.done $0x0  }
0x18d: {  	[sflag:s28] =	ssyncadd.s32 $0xFFFFF800  }
0x18e: {  	s29 =	simm.s32 $0x1200;
	v4 =	vld.idx.msk [tilespmem:v4+s4+$0x0], $0xffff  }
0x18f: {  	v6 =	vld [tilespmem:s29+$0x0]  }
0x190: {  	v5 =	vld.idx.msk [tilespmem:v5+s4+$0x0], $0xffff;
	_ =	sdelay $0x3  }
0x191: {  	v4 =	vmul.f32 v4, v6  }
0x192: {  	s30 =	simm.s32 $0x1;
	v5 =	vmul.f32 v5, v6  }
0x193: {  	v6 =	vor.u32 s30, v2;
	v4 =	vadd.f32 v4, v0  }
0x194: {  	v5 =	vadd.f32 v5, v1  }
0x195: {  	s7 =	simm.s32 $0xA80;
	v7 =	vadd.s32 s30, v3;
	v4 =	vmax.f32 v4, $0.0e+00  }
0x196: {  	s5 =	simm.s32 $0xC00;
	[tilespmem:s7+$0x0] =	vst v4;
	v4 =	vmax.f32 v5, $0.0e+00  }
0x197: {  	[tilespmem:s5+$0x0] =	vst v4  }
0x198: {  	s6 =	simm.s32 $0x1210;
	v4 =	vld.idx.msk [tilespmem:v6+s4+$0x0], $0xffff  }
0x199: {  	v5 =	vld [tilespmem:s6+$0x0]  }
0x19a: {  	v6 =	vld.idx.msk [tilespmem:v7+s4+$0x0], $0xffff;
	_ =	sdelay $0x3  }
0x19b: {  	v4 =	vmul.f32 v4, v5  }
0x19c: {  	s31 =	simm.s32 $0x2;
	v6 =	vmul.f32 v6, v5  }
0x19d: {  	v5 =	vor.u32 s31, v2;
	v7 =	vadd.f32 v4, v0  }
0x19e: {  	v4 =	vadd.s32 s31, v3;
	v6 =	vadd.f32 v6, v1  }
0x19f: {  	s8 =	simm.s32 $0x3;
	s7 =	simm.s32 $0xA90;
	v7 =	vmax.f32 v7, $0.0e+00  }
.LBB2_9:
0x1a0: {  	p2 =	sne.s32 s8, $0x11;
	[tilespmem:s7+$0x0] =	vst v7;
	v6 =	vmax.f32 v6, $0.0e+00;
	s5 =	sadd.s32 $0x10, s5  }
0x1a1: {  	[tilespmem:s5+$0x0] =	vst v6  }
0x1a2: {  	v5 =	vld.idx.msk [tilespmem:v5+s4+$0x0], $0xffff  }
0x1a3: {  	s6 =	sadd.s32 $0x10, s6;
	v4 =	vld.idx.msk [tilespmem:v4+s4+$0x0], $0xffff  }
0x1a4: {  	v6 =	vld [tilespmem:s6+$0x0];
	_ =	sdelay $0x4  }
.Ltmp6:
0x1a5: {  	v7 =	vmul.f32 v5, v6;
	(pc) =	sbr.rel @p2 .LBB2_9-.Ltmp6, $4  }
0x1a6: {  	v6 =	vmul.f32 v4, v6  }
0x1a7: {  	v5 =	vor.u32 s8, v2;
	v7 =	vadd.f32 v7, v0  }
0x1a8: {  	v4 =	vadd.s32 s8, v3;
	v6 =	vadd.f32 v6, v1  }
0x1a9: {  	s7 =	sadd.s32 $0x10, s7;
	s8 =	sadd.s32 $0x1, s8;
	v7 =	vmax.f32 v7, $0.0e+00  }
0x1aa: {  	_ =	sdelay $0x1  }
0x1ab: {  	[tilespmem:s7+$0x0] =	vst v7;
	v2 =	vmax.f32 v6, $0.0e+00;
	s5 =	sadd.s32 $0x10, s5  }
0x1ac: {  	[tilespmem:s5+$0x0] =	vst v2  }
0x1ad: {  	s6 =	sadd.s32 $0x10, s6;
	v2 =	vld.idx.msk [tilespmem:v5+s4+$0x0], $0xffff  }
0x1ae: {  	v3 =	vld [tilespmem:s6+$0x0]  }
0x1af: {  	v4 =	vld.idx.msk [tilespmem:v4+s4+$0x0], $0xffff;
	_ =	sdelay $0x3  }
0x1b0: {  	v2 =	vmul.f32 v2, v3  }
0x1b1: {  	v3 =	vmul.f32 v4, v3  }
0x1b2: {  	v0 =	vadd.f32 v2, v0;
	v2 =	vimm.s32 $0x6  }
0x1b3: {  	v1 =	vadd.f32 v3, v1  }
0x1b4: {  	s29 =	sadd.s32 $0x10, s7;
	v0 =	vmax.f32 v0, $0.0e+00  }
0x1b5: {  	s30 =	sadd.s32 $0x10, s5;
	[tilespmem:s29+$0x0] =	vst v0;
	v0 =	vmax.f32 v1, $0.0e+00  }
0x1b6: {  	s31 =	simm.s32 $0xA00;
	v3 =	vimm.s32 $0x8;
	[tilespmem:s30+$0x0] =	vst v0  }
0x1b7: {  	s4 =	simm.s32 $0x0;
	v1 =	vimm.s32 $0x9;
	v2 =	vld.idx.msk [tilespmem:v2+s31+$0x0], $0xffff  }
0x1b8: {  	v0 =	vimm.s32 $0x7;
	v6 =	vld [tilespmem:s4+$0x1080]  }
0x1b9: {  	v7 =	vimm.s32 $0xA;
	v8 =	vld [tilespmem:s4+$0xA80]  }
0x1ba: {  	v10 =	vld [tilespmem:s4+$0xC00]  }
0x1bb: {  	v3 =	vld.idx.msk [tilespmem:v3+s31+$0x0], $0xffff  }
0x1bc: {  	v5 =	vld.idx.msk [tilespmem:v1+s31+$0x0], $0xffff  }
0x1bd: {  	v9 =	vimm.s32 $0xB;
	v4 =	vld.idx.msk [tilespmem:v0+s31+$0x0], $0xffff  }
0x1be: {  	s5 =	simm.s32 $0x10;
	v0 =	vld.idx.msk [tilespmem:v7+s31+$0x0], $0xffff  }
0x1bf: {  	v12 =	vmul.f32 v8, v6;
	v13 =	vmul.f32 v10, v6;
	v6 =	vld [tilespmem:s5+$0x1080]  }
0x1c0: {  	v7 =	vld [tilespmem:s5+$0xA80]  }
0x1c1: {  	v8 =	vld [tilespmem:s5+$0xC00]  }
0x1c2: {  	v1 =	vld.idx.msk [tilespmem:v9+s31+$0x0], $0xffff;
	v11 =	vmul.f32 v13, v5;
	v9 =	vmul.f32 v12, v4  }
0x1c3: {  	s6 =	simm.s32 $0x80;
	v10 =	vmul.f32 v12, v2;
	v12 =	vmul.f32 v13, v3  }
.LBB2_11:
0x1c4: {  	s7 =	sshra.s32 s6, $0x2;
	v9 =	vadd.f32 v11, v9;
	v11 =	vmov v6;
	p2 =	sne.s32 s6, $0x440  }
.Ltmp7:
0x1c5: {  	v6 =	vld [tilespmem:s7+$0x1080];
	v10 =	vadd.f32 v12, v10;
	(pc) =	sbr.rel @p2 .LBB2_11-.Ltmp7, $4  }
0x1c6: {  	s6 =	sadd.s32 $0x40, s6;
	v12 =	vmul.f32 v7, v11;
	v7 =	vld [tilespmem:s7+$0xA80];
	v13 =	vmul.f32 v8, v11;
	[tilespmem:s4+$0xF00] =	vst v9  }
0x1c7: {  	v8 =	vld [tilespmem:s7+$0xC00];
	[tilespmem:s4+$0xD80] =	vst v10;
	s4 =	smov.u32 s5;
	s5 =	smov.u32 s7  }
0x1c8: {  	v9 =	vmul.f32 v12, v4;
	v11 =	vmul.f32 v13, v5  }
0x1c9: {  	v10 =	vmul.f32 v12, v2;
	v12 =	vmul.f32 v13, v3  }
0x1ca: {  	_ =	sdelay $0x1  }
0x1cb: {  	v7 =	vmul.f32 v7, v6;
	v58 =	vmul.f32 v8, v6;
	_ =	sdelay $0x1  }
0x1cc: {  	v59 =	vadd.f32 v11, v9;
	v4 =	vmul.f32 v7, v4;
	v5 =	vmul.f32 v58, v5  }
0x1cd: {  	v60 =	vadd.f32 v12, v10;
	v2 =	vmul.f32 v7, v2;
	v3 =	vmul.f32 v58, v3  }
0x1ce: {  	[tilespmem:s4+$0xF00] =	vst v59;
	v4 =	vadd.f32 v5, v4  }
0x1cf: {  	[tilespmem:s4+$0xD80] =	vst v60;
	v2 =	vadd.f32 v3, v2  }
0x1d0: {  	[tilespmem:s5+$0xF00] =	vst v4  }
0x1d1: {  	[tilespmem:s5+$0xD80] =	vst v2;
	v2 =	vimm.f32 $0.0e+00  }
0x1d2: {  	[tilespmem:$0x1380] =	vst v2  }
0x1d3: {  	[tilespmem:$0x1390] =	vst v2  }
0x1d4: {  	[tilespmem:$0x1400] =	vst v2  }
0x1d5: {  	[tilespmem:$0x1410] =	vst v2  }
0x1d6: {  	[tilespmem:$0x1480] =	vst v2  }
0x1d7: {  	[tilespmem:$0x1490] =	vst v2  }
0x1d8: {  	[tilespmem:$0x1500] =	vst v2  }
0x1d9: {  	[tilespmem:$0x1510] =	vst v2  }
0x1da: {  	[tilespmem:$0x1580] =	vst v2  }
0x1db: {  	[tilespmem:$0x1590] =	vst v2  }
0x1dc: {  	[tilespmem:$0x1600] =	vst v2  }
0x1dd: {  	[tilespmem:$0x1610] =	vst v2  }
0x1de: {  	[tilespmem:$0x1680] =	vst v2  }
0x1df: {  	[tilespmem:$0x1690] =	vst v2  }
0x1e0: {  	[tilespmem:$0x1700] =	vst v2  }
0x1e1: {  	[tilespmem:$0x1710] =	vst v2  }
0x1e2: {  	[tilespmem:$0x1780] =	vst v2  }
0x1e3: {  	[tilespmem:$0x1790] =	vst v2  }
0x1e4: {  	[tilespmem:$0x1800] =	vst v2  }
0x1e5: {  	[tilespmem:$0x1810] =	vst v2  }
0x1e6: {  	[tilespmem:$0x1880] =	vst v2  }
0x1e7: {  	[tilespmem:$0x1890] =	vst v2  }
0x1e8: {  	[tilespmem:$0x1900] =	vst v2  }
0x1e9: {  	[tilespmem:$0x1910] =	vst v2  }
0x1ea: {  	[tilespmem:$0x1980] =	vst v2  }
0x1eb: {  	[tilespmem:$0x1990] =	vst v2  }
0x1ec: {  	[tilespmem:$0x1A00] =	vst v2  }
0x1ed: {  	[tilespmem:$0x1A10] =	vst v2  }
0x1ee: {  	[tilespmem:$0x1A80] =	vst v2  }
0x1ef: {  	[tilespmem:$0x1A90] =	vst v2  }
0x1f0: {  	[tilespmem:$0x1B00] =	vst v2  }
0x1f1: {  	[tilespmem:$0x1B10] =	vst v2  }
0x1f2: {  	[tilespmem:$0x1398] =	vst v2  }
0x1f3: {  	[tilespmem:$0x1418] =	vst v2  }
0x1f4: {  	[tilespmem:$0x1498] =	vst v2  }
0x1f5: {  	[tilespmem:$0x1518] =	vst v2  }
0x1f6: {  	[tilespmem:$0x1598] =	vst v2  }
0x1f7: {  	[tilespmem:$0x1618] =	vst v2  }
0x1f8: {  	[tilespmem:$0x1698] =	vst v2  }
0x1f9: {  	[tilespmem:$0x1718] =	vst v2  }
0x1fa: {  	[tilespmem:$0x1798] =	vst v2  }
0x1fb: {  	[tilespmem:$0x1818] =	vst v2  }
0x1fc: {  	[tilespmem:$0x1898] =	vst v2  }
0x1fd: {  	[tilespmem:$0x1918] =	vst v2  }
0x1fe: {  	[tilespmem:$0x1998] =	vst v2  }
0x1ff: {  	[tilespmem:$0x1A18] =	vst v2  }
0x200: {  	[tilespmem:$0x1A98] =	vst v2  }
0x201: {  	s6 =	simm.s32 $0x280;
	[tilespmem:$0x1B18] =	vst v2  }
0x202: {  	s5 =	simm.s32 $0x0;
	v3 =	vld [tilespmem:s6+$0x0]  }
0x203: {  	v2 =	vld [tilespmem:s5+$0x0];
	_ =	sdelay $0x3  }
0x204: {  	v4 =	vshra.s32 v3, $0x4  }
0x205: {  	v3 =	vshll.u32 v3, $0x7;
	v5 =	vand.u32 $0xFFFFFF80, v4  }
0x206: {  	v3 =	vand.u32 $0x780, v3;
	v61 =	vand.u32 $0x7F, v4;
	v4 =	vadd.s32 $0x14, v4  }
0x207: {  	s7 =	simm.s32 $0xD80;
	v5 =	vadd.s32 v5, v3;
	v63 =	vand.u32 $0xFFFFFF80, v4  }
0x208: {  	s8 =	simm.s32 $0xF00;
	v4 =	vand.u32 $0x7F, v4;
	v62 =	vld.idx.msk [tilespmem:v2+s7+$0x0], $0xffff;
	v5 =	vor.u32 v61, v5;
	v3 =	vadd.s32 v3, v63  }
.Ltmp8:
0x209: {  	v2 =	vld.idx.msk [tilespmem:v2+s8+$0x0], $0xffff;
	v3 =	vor.u32 v4, v3;
	(pc) =	sbr.rel @!p1 .LBB2_14-.Ltmp8, $3  }
0x20a: {  	_ =	sdelay $0x1  }
0x20b: {  	s4 =	simm.s32 $0x1380  }
0x20c: {  	s3 =	sadd.s32 $0xFFFFFFFF, s3;
	s9 =	simm.s32 $0x0;
	[tilespmem:v5+s4+$0x0] =	vst.idx.add.f32.msk $0xffff, v62  }
.LBB2_13:
0x20d: {  	p1 =	sne.s32 s3, $0x1;
	[tilespmem:v3+s4+$0x0] =	vst.idx.add.f32.msk $0xffff, v2;
	s9 =	sadd.s32 $0x10, s9;
	s6 =	sadd.s32 $0x10, s6  }
0x20e: {  	s3 =	sadd.s32 $0xFFFFFFFF, s3;
	v2 =	vld [tilespmem:s9+$0x0]  }
0x20f: {  	v3 =	vld [tilespmem:s6+$0x0];
	_ =	sdelay $0x4  }
0x210: {  	v4 =	vshra.s32 v3, $0x4;
	v3 =	vshll.u32 v3, $0x7  }
0x211: {  	v5 =	vand.u32 $0xFFFFFF80, v4;
	v3 =	vand.u32 $0x780, v3;
	v6 =	vadd.s32 $0x14, v4  }
0x212: {  	v4 =	vand.u32 $0x7F, v4;
	v7 =	vld.idx.msk [tilespmem:v2+s7+$0x0], $0xffff;
	v5 =	vadd.s32 v5, v3;
	v8 =	vand.u32 $0xFFFFFF80, v6  }
0x213: {  	v2 =	vld.idx.msk [tilespmem:v2+s8+$0x0], $0xffff;
	v4 =	vor.u32 v4, v5;
	v5 =	vand.u32 $0x7F, v6;
	v3 =	vadd.s32 v3, v8  }
.Ltmp9:
0x214: {  	v3 =	vor.u32 v5, v3;
	(pc) =	sbr.rel @p1 .LBB2_13-.Ltmp9, $2  }
0x215: {  	_ =	sdelay $0x2  }
0x216: {  	[tilespmem:v4+s4+$0x0] =	vst.idx.add.f32.msk $0xffff, v7  }
.LBB2_14:
0x217: {  	_ =	sdelay $0x1  }
0x218: {  	v4 =	vlaneseq.u32 @p0;
	_ =	sdelay $0x1  }
0x219: {  	[tilespmem:v3+s4+$0x0] =	vst.idx.add.f32.msk $0xffff, v2  }
0x21a: {  	[bflag:$0x0] =	sbarrier.arrive $0xFFFF  }
0x21b: {  	s3 =	simm.s32 @p0 $0x1380;
	[bflag:$0x0] =	sbarrier.arrive @p0 $0xFFFF  }
0x21c: {  	[spmem:s2] =	stream.indirect_vreg.scatter.add.f32 @p0 [tilespmem:s3], [sflag:$0x2], $0x28, v4, vm0, $0xb8;
	[tilespmem:$0x1C28] =	vst v63  }
0x21d: {  	s3 =	simm.s32 @p0 $0x2  }
0x21e: {  	_ =	swait.ge @p0 [sflag:s3], $0x280  }
0x21f: {  	[sflag:s3] =	ssyncset.done @p0 $0x0  }
0x220: {  	[sflag:s3] =	ssyncadd.s32 @p0 $0xFFFFFD80;
	s3 =	simm.s32 @!p0 $0x1380  }
0x221: {  	[spmem:s2] =	stream.linear.scatter @!p0 [tilespmem:s3], [sflag:$0x2], $0x800, $0x38;
	[tilespmem:$0x1C28] =	vst v63  }
0x222: {  	s3 =	simm.s32 @!p0 $0x2  }
0x223: {  	_ =	swait.ge @!p0 [sflag:s3], $0x800  }
0x224: {  	v2 =	vlaneseq.u32;
	[sflag:s3] =	ssyncset.done @!p0 $0x0  }
0x225: {  	v2 =	vmul.u32 $0x80, v2;
	[sflag:s3] =	ssyncadd.s32 @!p0 $0xFFFFF800  }
0x226: {  	[bflag:$0x0] =	sbarrier.arrive @!p0 $0xFFFF  }
0x227: {  	s26 =	simm.s32 $0x2;
	v4 =	vor.u32 s5, v2;
	[bflag:$0x0] =	sbarrier.arrive $0xFFFF  }
0x228: {  	v3 =	vor.u32 $0x14, v2;
	[tilespmem:s4], [sflag:$0x2] =	stream.linear.gather [spmem:s2], $0x800, $0x38;
	[tilespmem:$0x1C28] =	vst v63  }
0x229: {  	v5 =	vadd.s32 s5, v3;
	_ =	swait.ge [sflag:s26], $0x800  }
0x22a: {  	[sflag:s26] =	ssyncset.done $0x0  }
0x22b: {  	[sflag:s26] =	ssyncadd.s32 $0xFFFFF800  }
0x22c: {  	s28 =	simm.s32 $0x1200;
	v4 =	vld.idx.msk [tilespmem:v4+s4+$0x0], $0xffff  }
0x22d: {  	v6 =	vld [tilespmem:s28+$0x0]  }
0x22e: {  	v5 =	vld.idx.msk [tilespmem:v5+s4+$0x0], $0xffff;
	_ =	sdelay $0x3  }
0x22f: {  	v4 =	vmul.f32 v4, v6  }
0x230: {  	s29 =	simm.s32 $0x1;
	v5 =	vmul.f32 v5, v6  }
0x231: {  	v6 =	vor.u32 s29, v2;
	v4 =	vadd.f32 v4, v0  }
0x232: {  	v5 =	vadd.f32 v5, v1  }
0x233: {  	s30 =	simm.s32 $0xA80;
	v7 =	vadd.s32 s29, v3;
	v4 =	vmax.f32 v4, $0.0e+00  }
0x234: {  	s2 =	simm.s32 $0xC00;
	[tilespmem:s30+$0x0] =	vst v4;
	v4 =	vmax.f32 v5, $0.0e+00  }
0x235: {  	[tilespmem:s2+$0x0] =	vst v4  }
0x236: {  	s3 =	simm.s32 $0x1210;
	v4 =	vld.idx.msk [tilespmem:v6+s4+$0x0], $0xffff  }
0x237: {  	v5 =	vld [tilespmem:s3+$0x0]  }
0x238: {  	v6 =	vld.idx.msk [tilespmem:v7+s4+$0x0], $0xffff;
	_ =	sdelay $0x3  }
0x239: {  	v4 =	vmul.f32 v4, v5  }
0x23a: {  	s31 =	simm.s32 $0x2;
	v6 =	vmul.f32 v6, v5  }
0x23b: {  	v5 =	vor.u32 s31, v2;
	v7 =	vadd.f32 v4, v0  }
0x23c: {  	v4 =	vadd.s32 s31, v3;
	v6 =	vadd.f32 v6, v1  }
0x23d: {  	s6 =	simm.s32 $0x3;
	s5 =	simm.s32 $0xA90;
	v7 =	vmax.f32 v7, $0.0e+00  }
.LBB2_15:
0x23e: {  	p1 =	sne.s32 s6, $0x11;
	[tilespmem:s5+$0x0] =	vst v7;
	v6 =	vmax.f32 v6, $0.0e+00;
	s2 =	sadd.s32 $0x10, s2  }
0x23f: {  	[tilespmem:s2+$0x0] =	vst v6  }
0x240: {  	v5 =	vld.idx.msk [tilespmem:v5+s4+$0x0], $0xffff  }
0x241: {  	s3 =	sadd.s32 $0x10, s3;
	v4 =	vld.idx.msk [tilespmem:v4+s4+$0x0], $0xffff  }
0x242: {  	v6 =	vld [tilespmem:s3+$0x0];
	_ =	sdelay $0x4  }
.Ltmp10:
0x243: {  	v7 =	vmul.f32 v5, v6;
	(pc) =	sbr.rel @p1 .LBB2_15-.Ltmp10, $4  }
0x244: {  	v6 =	vmul.f32 v4, v6  }
0x245: {  	v5 =	vor.u32 s6, v2;
	v7 =	vadd.f32 v7, v0  }
0x246: {  	v4 =	vadd.s32 s6, v3;
	v6 =	vadd.f32 v6, v1  }
0x247: {  	s5 =	sadd.s32 $0x10, s5;
	s6 =	sadd.s32 $0x1, s6;
	v7 =	vmax.f32 v7, $0.0e+00  }
0x248: {  	_ =	sdelay $0x1  }
0x249: {  	[tilespmem:s5+$0x0] =	vst v7;
	v2 =	vmax.f32 v6, $0.0e+00;
	s2 =	sadd.s32 $0x10, s2  }
0x24a: {  	[tilespmem:s2+$0x0] =	vst v2  }
0x24b: {  	s3 =	sadd.s32 $0x10, s3;
	v2 =	vld.idx.msk [tilespmem:v5+s4+$0x0], $0xffff  }
0x24c: {  	v3 =	vld [tilespmem:s3+$0x0]  }
0x24d: {  	v4 =	vld.idx.msk [tilespmem:v4+s4+$0x0], $0xffff;
	_ =	sdelay $0x3  }
0x24e: {  	v2 =	vmul.f32 v2, v3  }
0x24f: {  	v3 =	vmul.f32 v4, v3  }
0x250: {  	v0 =	vadd.f32 v2, v0  }
0x251: {  	v1 =	vadd.f32 v3, v1  }
0x252: {  	s31 =	sadd.s32 $0x10, s5;
	v0 =	vmax.f32 v0, $0.0e+00  }
0x253: {  	s2 =	sadd.s32 $0x10, s2;
	v63 =	vmax.f32 v1, $0.0e+00;
	[tilespmem:s31+$0x0] =	vst v0  }
0x254: {  	[tilespmem:s2+$0x0] =	vst v63  }
0x255: {  	_ =	sfence.sel @p0 $0x180000  }
0x256: {  	[bflag:$0x0] =	sbarrier.arrive @p0 $0xFFFF  }
0x257: {  	_ =	strace @p0 $0x90000047  }
0x258: {  	[bflag:$0x2] =	sbarrier.arrive @p0 $0xFFFF  }
0x259: {  	_ =	shalt @p0  }
.LBB2_17:
0x25a: {  	s2 =	simm.s32 $0x0;
	v2 =	vlaneseq.u32  }
0x25b: {  	v0 =	vor.u32 s2, v2  }
0x25c: {  	vm0 =	vlt.s32 v0, $0x11D  }
0x25d: {  	v1 =	vnsel vm0, $0x11D, v0  }
0x25e: {  	v3 =	vshll.u32 v1, $0x1;
	_ =	sdelay $0x1  }
0x25f: {  	s4 =	simm.s32 $0x10;
	v4 =	vor.u32 $0x1, v3  }
0x260: {  	s3 =	simm.s32 $0xA80;
	v1 =	vor.u32 s4, v2  }
0x261: {  	s2 =	simm.s32 $0x780;
	v7 =	vld [tilespmem:s3+$0x0];
	vm14 =	vlt.s32 v1, $0x11D  }
0x262: {  	s30 =	simm.s32 $0xC00;
	v8 =	vld.idx.msk [tilespmem:v3+s2+$0x0], $0xffff;
	v3 =	vnsel vm14, $0x11D, v1  }
0x263: {  	v9 =	vld [tilespmem:s30+$0x0];
	v6 =	vshll.u32 v3, $0x1  }
0x264: {  	v4 =	vld.idx.msk [tilespmem:v4+s2+$0x0], $0xffff  }
0x265: {  	s31 =	simm.s32 $0x20;
	v10 =	vor.u32 $0x1, v6  }
0x266: {  	s3 =	simm.s32 $0xA90;
	v3 =	vor.u32 s31, v2  }
0x267: {  	v5 =	vld [tilespmem:s3+$0x0];
	vm15 =	vlt.s32 v3, $0x11D  }
0x268: {  	s4 =	simm.s32 $0xC10;
	v11 =	vnsel vm15, $0x11D, v3;
	v6 =	vld.idx.msk [tilespmem:v6+s2+$0x0], $0xffff  }
0x269: {  	v12 =	vmul.f32 v7, v8;
	v8 =	vshll.u32 v11, $0x1;
	v13 =	vmul.f32 v9, v4;
	v9 =	vld [tilespmem:s4+$0x0]  }
0x26a: {  	v7 =	vld.idx.msk [tilespmem:v10+s2+$0x0], $0xffff;
	v10 =	vor.u32 $0x1, v8  }
0x26b: {  	s5 =	simm.s32 $0x30;
	v4 =	vimm.f32 $0.0e+00;
	v11 =	vadd.f32 v13, v12  }
.LBB2_18:
0x26c: {  	p0 =	sne.s32 s5, $0x110;
	s3 =	sadd.s32 $0x10, s3;
	vm0 =	vlt.u32 v0, $0x11E;
	v0 =	vmovc v1;
	v1 =	vmovc v3;
	v3 =	vor.u32 s5, v2;
	s5 =	sadd.s32 $0x10, s5;
	v12 =	vmov v5  }
.Ltmp11:
0x26d: {  	vm1 =	vlt.s32 v3, $0x11D;
	v5 =	vld [tilespmem:s3+$0x0];
	v14 =	vnsel vm0, $0x0, v11;
	(pc) =	sbr.rel @p0 .LBB2_18-.Ltmp11, $4  }
0x26e: {  	v11 =	vmov v6;
	v13 =	vnsel vm1, $0x11D, v3;
	v4 =	vadd.f32 v14, v4;
	v6 =	vld.idx.msk [tilespmem:v8+s2+$0x0], $0xffff  }
0x26f: {  	s4 =	sadd.s32 $0x10, s4;
	v11 =	vmul.f32 v12, v11;
	v8 =	vshll.u32 v13, $0x1;
	v12 =	vmul.f32 v9, v7;
	v7 =	vld.idx.msk [tilespmem:v10+s2+$0x0], $0xffff  }
0x270: {  	v10 =	vor.u32 $0x1, v8;
	v9 =	vld [tilespmem:s4+$0x0]  }
0x271: {  	v11 =	vadd.f32 v12, v11  }
0x272: {  	_ =	sdelay $0x3  }
0x273: {  	v8 =	vld.idx.msk [tilespmem:v8+s2+$0x0], $0xffff  }
0x274: {  	s3 =	sadd.s32 $0x10, s3;
	v10 =	vld.idx.msk [tilespmem:v10+s2+$0x0], $0xffff  }
0x275: {  	s26 =	sadd.s32 $0x10, s4;
	v2 =	vld [tilespmem:s3+$0x0]  }
0x276: {  	v12 =	vld [tilespmem:s26+$0x0];
	_ =	sdelay $0x2  }
0x277: {  	vm0 =	vlt.u32 v0, $0x11E;
	v57 =	vmul.f32 v5, v6;
	v58 =	vmul.f32 v9, v7  }
0x278: {  	v59 =	vnsel vm0, $0x0, v11  }
0x279: {  	v0 =	vadd.f32 v58, v57;
	v2 =	vmul.f32 v2, v8;
	v60 =	vmul.f32 v12, v10  }
0x27a: {  	vm14 =	vlt.u32 v1, $0x11E;
	v4 =	vadd.f32 v59, v4  }
0x27b: {  	v0 =	vnsel vm14, $0x0, v0;
	v61 =	vadd.f32 v60, v2  }
0x27c: {  	vm15 =	vlt.u32 v3, $0x11E;
	v0 =	vadd.f32 v0, v4  }
0x27d: {  	v1 =	vnsel vm15, $0x0, v61  }
0x27e: {  	v0 =	vadd.f32 v1, v0;
	_ =	sdelay $0x1  }
0x27f: {  	(xrf2) =	vadd.scan.msk.f32 $0xffff, v0;
	_ =	sdelay $0x2  }
0x280: {  	v62 =	vimm.s32 $0xC;
	_ =	sdelay $0x3  }
0x281: {  	s28 =	simm.s32 $0xA00  }
0x282: {  	v0 =	vld.idx.msk [tilespmem:v62+s28+$0x0], $0xffff;
	_ =	sdelay $0x1  }
0x283: {  	v63, _, _ =	vpop (xrf2)  }
0x284: {  	v1 =	vbroadcast v63, $0xF;
	_ =	sdelay $0x1  }
0x285: {  	v0 =	vadd.f32 v0, v1;
	_ =	sdelay $0x1  }
0x286: {  	v0 =	vsub.f32 $0.0e+00, v0;
	_ =	sdelay $0x1  }
0x287: {  	v0 =	vmul.f32 $1.442695020e+00, v0;
	_ =	sdelay $0x1  }
0x288: {  	(erf) = vpow2.f32 v0;
	_ =	sdelay $0x8  }
0x289: {  	v0 =	vpop (erf)  }
0x28a: {  	v0 =	vadd.f32 $1.000000000e+00, v0;
	_ =	sdelay $0x1  }
0x28b: {  	(erf) = vrcp.f32 v0;
	_ =	sdelay $0x8  }
0x28c: {  	v0 =	vpop (erf)  }
0x28d: {  	s29 =	simm.s32 $0x0;
	s30 =	simm.s32 $0x1BA8;
	s31 =	simm.s32 $0x2;
	[tilespmem:$0x1BA8] =	vst v0  }
0x28e: {  	[hbm4b:s1+s29] =	stream.linear.scatter [tilespmem:s30], [sflag:$0x2], $0x80, $0x38;
	[tilespmem:$0x1C28] =	vst v63  }
0x28f: {  	_ =	swait.ge [sflag:s31], $0x80  }
0x290: {  	[sflag:s31] =	ssyncset.done $0x0  }
0x291: {  	[sflag:s31] =	ssyncadd.s32 $0xFFFFFF80  }
0x292: {  	_ =	sfence.sel $0x180000  }
0x293: {  	[bflag:$0x0] =	sbarrier.arrive $0xFFFF  }
0x294: {  	_ =	strace $0x90000047  }
0x295: {  	s0 =	sadd.s32 $0x100000, s0;
	[bflag:$0x2] =	sbarrier.arrive $0xFFFF  }
0x296: {  	[sflag:s0] =	ssyncadd.tile.s32 $0x1;
	_ =	shalt  }
.Lfunc_end2:
_tile_overlayer_lowered:
.L_overlay_start_2:
0x297: {  	(tag) =	ssettag $0x2  }
0x298: {  	s0 =	rddreg [dreg:$0x0];
	s2 =	stileid.u32  }
0x299: {  	s1 =	rddreg [dreg:$0x1];
	p0 =	sne.s32 s2, $0x0  }
0x29a: {  	s3 =	rddreg [dreg:$0x2];
	[bflag:$0x3] =	sbarrier.arrive $0xFFFF;
	s2 =	simm.s32 @!p0 $0x1C02  }
0x29b: {  	[timem:s3], [sflag:s2] =	dma.local @!p0 [hbm:s0], s1  }
0x29c: {  	s0 =	simm.s32 @!p0 $0x2  }
0x29d: {  	_ =	swait.ge @!p0 [sflag:s0], s1  }
0x29e: {  	s1 =	ssub.s32 @!p0 $0x0, s1;
	[sflag:s0] =	ssyncset.done @!p0 $0x0  }
0x29f: {  	[sflag:s0] =	ssyncadd.s32 @!p0 s1  }
0x2a0: {  	[bflag:$0x3] =	sbarrier.arrive $0xFFFF  }
0x2a1: {  	_ =	shalt  }

</sc_bundles>
